<compile_context>
chip_gen: v7x
topology: tpu7x:2x2x1
jax: 0.10.2.dev20260603
libtpu: 0.0.44.dev20260713+nightly
codegen_flags: <defaults>
</compile_context>

<pallas_src>
import jax
import jax.numpy as jnp
from jax import lax
from jax.experimental import pallas as pl
from jax.experimental.pallas import tpu as pltpu
from jax.experimental.pallas import tpu_sc as plsc

_NOT_NODE_OBS = 3
_EMBED_LEN = 256
_N_NODES = 8192
_BATCH = 4096
_ATOL = 1e-8
_RTOL = 0.1

_QB = 4096
_NW = 32
_BPW = _BATCH // _NW
_L = 16


_TCHUNK = 256


def _tc_match_body(xq_ref, tb_ref, out_ref):
    q0 = xq_ref[:, _NOT_NODE_OBS:_NOT_NODE_OBS + 1].astype(jnp.bfloat16)
    q1 = xq_ref[:, _NOT_NODE_OBS + 1:_NOT_NODE_OBS + 2].astype(jnp.bfloat16)
    t0 = tb_ref[0:1, :].astype(jnp.bfloat16)
    t1 = tb_ref[1:2, :].astype(jnp.bfloat16)
    a0 = jnp.bfloat16(_ATOL) + jnp.bfloat16(_RTOL) * jnp.abs(t0)
    a1 = jnp.bfloat16(_ATOL) + jnp.bfloat16(_RTOL) * jnp.abs(t1)
    acc = jnp.full((_QB, _TCHUNK), -1, jnp.bfloat16)
    for c in range(_N_NODES // _TCHUNK):
        sl = slice(c * _TCHUNK, (c + 1) * _TCHUNK)
        m_c = ((jnp.abs(q0 - t0[:, sl]) <= a0[:, sl])
               & (jnp.abs(q1 - t1[:, sl]) <= a1[:, sl]))
        acc = jnp.where(m_c, jnp.bfloat16(c), acc)
    accf = acc.astype(jnp.float32)
    lane = lax.broadcasted_iota(jnp.int32, (_QB, _TCHUNK), 1).astype(jnp.float32)
    j = jnp.where(accf < 0, jnp.float32(-1), accf * _TCHUNK + lane)
    out_ref[...] = jnp.max(j, axis=1).astype(jnp.int32)


def _tc_match(xq, tb):
    return pl.pallas_call(
        _tc_match_body,
        grid=(_BATCH // _QB,),
        in_specs=[
            pl.BlockSpec((_QB, _NOT_NODE_OBS + 2), lambda i: (i, 0)),
            pl.BlockSpec((2, _N_NODES), lambda i: (0, 0)),
        ],
        out_specs=pl.BlockSpec((_QB,), lambda i: (i,)),
        out_shape=jax.ShapeDtypeStruct((_BATCH,), jnp.int32),
    )(xq, tb)


def _sc_body(midx_hbm, embed_hbm, out_hbm, all_v, idx_v, cnt_v, csh_v,
             counts_sh, rows_v, rows2_v, sem, sem2):
    c = lax.axis_index("c")
    s = lax.axis_index("s")
    wid = s * 2 + c
    base = wid * _BPW
    pltpu.sync_copy(midx_hbm.at[pl.ds(s * 2 * _BPW, 2 * _BPW)], all_v)
    for half in range(2):
        acc = jnp.zeros((_L,), jnp.int32)
        for k in range(_BPW // _L):
            v = all_v[pl.ds(half * _BPW + k * _L, _L)]
            acc = acc + jnp.minimum(v, 0)
        cnt_v[pl.ds(half * _L, _L)] = -acc
    pltpu.sync_copy(cnt_v, counts_sh.at[pl.ds(s * 2 * _L, 2 * _L)])
    plsc.subcore_barrier()
    pltpu.sync_copy(counts_sh, csh_v)

    def pref_body(k, a):
        return a + csh_v[pl.ds(k * _L, _L)]

    accv = lax.fori_loop(0, wid, pref_body, jnp.zeros((_L,), jnp.int32))
    carry = jnp.sum(accv)
    for k in range(_BPW // _L):
        v = all_v[pl.ds(c * _BPW + k * _L, _L)]
        miss = v == -1
        mi = jnp.where(miss, jnp.int32(1), jnp.int32(0))
        reg = carry + plsc.cumsum(mi) - 1
        idx_v[pl.ds(k * _L, _L)] = jnp.where(miss, reg, v)
        carry = carry + jnp.sum(mi)

    h = _BPW // 2
    g0 = pltpu.async_copy(embed_hbm.at[idx_v.at[pl.ds(0, h)]], rows_v, sem)
    g1 = pltpu.async_copy(embed_hbm.at[idx_v.at[pl.ds(h, h)]], rows2_v, sem2)
    g0.wait()
    pltpu.sync_copy(rows_v, out_hbm.at[pl.ds(base, h)])
    g1.wait()
    pltpu.sync_copy(rows2_v, out_hbm.at[pl.ds(base + h, h)])


def _sc_lookup(midx, embed_table):
    mesh = plsc.VectorSubcoreMesh(core_axis_name="c", subcore_axis_name="s")
    fn = pl.kernel(
        _sc_body,
        mesh=mesh,
        out_type=jax.ShapeDtypeStruct((_BATCH, _EMBED_LEN), jnp.float32),
        compiler_params=pltpu.CompilerParams(needs_layout_passes=False),
        scratch_types=[
            pltpu.VMEM((2 * _BPW,), jnp.int32),
            pltpu.VMEM((_BPW,), jnp.int32),
            pltpu.VMEM((2 * _L,), jnp.int32),
            pltpu.VMEM((_NW * _L,), jnp.int32),
            pltpu.VMEM_SHARED((_NW * _L,), jnp.int32),
            pltpu.VMEM((_BPW // 2, _EMBED_LEN), jnp.float32),
            pltpu.VMEM((_BPW // 2, _EMBED_LEN), jnp.float32),
            pltpu.SemaphoreType.DMA,
            pltpu.SemaphoreType.DMA,
        ],
    )
    return fn(midx, embed_table)


def kernel(x, embed_table, nodes_table):
    xq = x.reshape(_BATCH, _NOT_NODE_OBS + 2)
    tb = nodes_table.T
    midx = _tc_match(xq, tb)
    return _sc_lookup(midx, embed_table)

# --- scband reference (transcript-rebuilt; emitter-appended) ---
"""Pipeline reference for scband-nodewise-embedder-63239098466371 (READ-ONLY COPY).

The authoritative reference and input builder live on the scoring server;
editing this copy changes nothing except your own understanding.
"""

import jax, jax.numpy as jnp
import numpy as np

NOT_NODE_OBS = 3
NODE_LEN = 2
EMBED_LEN = 256
N_NODES = 8192
BATCH = 4096


def _isclose(a, b, rtol=0.1, atol=1e-8):
    # torch.isclose(a, b, 0.1): |a-b| <= atol + rtol*|b|
    return jnp.abs(a - b) <= atol + rtol * jnp.abs(b)


def setup_inputs(seed: int = 0) -> dict:
    key = jax.random.key(seed)
    k1, k2 = jax.random.split(key)
    # fill=rand -> uniform [0,1); guarantees no node matches the -1 initialized table,
    # so the register() path assigns sequential indices 0..B-1 deterministically.
    x = jax.random.uniform(k1, (BATCH, 1, NOT_NODE_OBS + NODE_LEN), dtype=jnp.float32)
    # learned parameter: nn.Embedding(n_nodes, embed_len) weight (torch default N(0,1))
    embed_table = jax.random.normal(k2, (N_NODES, EMBED_LEN), dtype=jnp.float32)
    # module buffer: self.nodes = -ones(n_nodes, node_len)
    nodes_table = -jnp.ones((N_NODES, NODE_LEN), dtype=jnp.float32)
    return {"x": x, "embed_table": embed_table, "nodes_table": nodes_table}


def reference(x, embed_table, nodes_table):
    # forward
    not_node = x[:, :, :NOT_NODE_OBS]  # unused by the output, kept for fidelity
    nodes = x[:, :, NOT_NODE_OBS:]
    shape_original = nodes.shape[:1]
    n = int(nodes.shape[0] * nodes.shape[1] * nodes.shape[2] // 2)
    nodes_flat = nodes.reshape((n, 2))
    # get_indices: pairwise isclose of all query nodes vs all table rows
    found = jnp.all(_isclose(nodes_flat[:, None, :], nodes_table[None, :, :]), axis=2)
    picker = jnp.broadcast_to(jnp.arange(nodes_table.shape[0]), (n, nodes_table.shape[0]))
    indices = jnp.max(jnp.where(found, picker, -jnp.ones_like(picker)), axis=1)
    # register: node_hwm starts at 0; misses (indices == -1) receive sequential ids
    # in scan order: start + (0, 1, 2, ...)
    miss = indices == -1
    reg_idx = jnp.cumsum(miss.astype(jnp.int32)) - 1
    indices = jnp.where(miss, reg_idx, indices).astype(jnp.int32)
    out = jnp.take(embed_table, indices, axis=0)
    return out.reshape(shape_original + (EMBED_LEN,))

if __name__ == "__main__":
    import jax
    _d = setup_inputs()
    print(jax.jit(kernel)(*tuple(_d.values())))

</pallas_src>

<mosaic_0001>
#map = affine_map<(d0, d1) -> (0)>
#map1 = affine_map<(d0, d1) -> (0, 0)>
module attributes {stable_mosaic.version = 14 : i64} {
  func.func @_sc_body(%arg0: i32, %arg1: i32, %arg2: memref<4096xi32, #tpu.memory_space<hbm>>, %arg3: memref<8192x256xf32, #tpu.memory_space<hbm>>, %arg4: memref<4096x256xf32, #tpu.memory_space<hbm>>, %arg5: memref<256xi32, #tpu.memory_space<vmem>>, %arg6: memref<128xi32, #tpu.memory_space<vmem>>, %arg7: memref<32xi32, #tpu.memory_space<vmem>>, %arg8: memref<512xi32, #tpu.memory_space<vmem>>, %arg9: memref<512xi32, #tpu.memory_space<vmem_shared>>, %arg10: memref<64x256xf32, #tpu.memory_space<vmem>>, %arg11: memref<64x256xf32, #tpu.memory_space<vmem>>, %arg12: memref<!tpu.dma_semaphore, #tpu.memory_space<semaphore_mem>>, %arg13: memref<!tpu.dma_semaphore, #tpu.memory_space<semaphore_mem>>) attributes {dimension_semantics = [#tpu.dimension_semantics<core_parallel>, #tpu.dimension_semantics<subcore_parallel>], iteration_bounds = array<i64: 2, 16>, scalar_prefetch = 0 : i64, scratch_operands = 9 : i64, tpu.core_type = #tpu.core_type<sc_vector_subcore>, window_params = [{transform_indices = #map}, {transform_indices = #map1}, {transform_indices = #map1}]} {
    %mul3A = arith.constant 2 : i32
    %mul3A_0 = arith.muli %arg1, %mul3A : i32
    %add3A = arith.addi %mul3A_0, %arg0 : i32
    %mul3A_1 = arith.constant 128 : i32
    %mul3A_2 = arith.muli %add3A, %mul3A_1 : i32
    %mul3A_3 = arith.constant 2 : i32
    %mul3A_4 = arith.muli %arg1, %mul3A_3 : i32
    %mul3A_5 = arith.constant 128 : i32
    %mul3A_6 = arith.muli %mul3A_4, %mul3A_5 : i32
    "tpu.region"() ({
      %run_scoped3A = tpu.sem_alloc : memref<!tpu.dma_semaphore, #tpu.memory_space<semaphore_mem>>
      %dma_start3A_386 = tpu.memref_slice %arg2[%mul3A_6] : memref<4096xi32, #tpu.memory_space<hbm>> -> memref<256xi32, #tpu.memory_space<hbm>>
      %dma_start3A_387 = tpu.memref_slice %arg2[%mul3A_6] : memref<4096xi32, #tpu.memory_space<hbm>> -> memref<256xi32, #tpu.memory_space<hbm>>
      tpu.enqueue_dma source(%dma_start3A_387 : memref<256xi32, #tpu.memory_space<hbm>>) target(%arg5 : memref<256xi32, #tpu.memory_space<vmem>>) target_semaphore(%run_scoped3A : memref<!tpu.dma_semaphore, #tpu.memory_space<semaphore_mem>>)
      %dma_wait3A_388 = tpu.memref_slice %arg2[%mul3A_6] : memref<4096xi32, #tpu.memory_space<hbm>> -> memref<256xi32, #tpu.memory_space<hbm>>
      %dma_wait3A_389 = tpu.memref_slice %arg2[%mul3A_6] : memref<4096xi32, #tpu.memory_space<hbm>> -> memref<256xi32, #tpu.memory_space<hbm>>
      tpu.wait_dma2 semaphore(%run_scoped3A : memref<!tpu.dma_semaphore, #tpu.memory_space<semaphore_mem>>) src(%dma_wait3A_389 : memref<256xi32, #tpu.memory_space<hbm>>) dst(%arg5 : memref<256xi32, #tpu.memory_space<vmem>>)
      tpu.yield
    }) : () -> ()
    %broadcast_in_dim3A = arith.constant 0 : i32
    %broadcast_in_dim3A_7 = vector.broadcast %broadcast_in_dim3A : i32 to vector<16xi32>
    %get3A = arith.constant 0 : index
    %get3A_8 = tpu.vector_load %arg5[%get3A] {strides = array<i32>} : memref<256xi32, #tpu.memory_space<vmem>>, vector<16xi32>,
    %min3A = arith.constant 0 : i32
    %min3A_9 = vector.broadcast %min3A : i32 to vector<16xi32>
    %min3A_10 = arith.minsi %get3A_8, %min3A_9 : vector<16xi32>
    %add3A_11 = arith.addi %broadcast_in_dim3A_7, %min3A_10 : vector<16xi32>
    %get3A_12 = arith.constant 16 : index
    %get3A_13 = tpu.vector_load %arg5[%get3A_12] {strides = array<i32>} : memref<256xi32, #tpu.memory_space<vmem>>, vector<16xi32>,
    %min3A_14 = arith.constant 0 : i32
    %min3A_15 = vector.broadcast %min3A_14 : i32 to vector<16xi32>
    %min3A_16 = arith.minsi %get3A_13, %min3A_15 : vector<16xi32>
    %add3A_17 = arith.addi %add3A_11, %min3A_16 : vector<16xi32>
    %get3A_18 = arith.constant 32 : index
    %get3A_19 = tpu.vector_load %arg5[%get3A_18] {strides = array<i32>} : memref<256xi32, #tpu.memory_space<vmem>>, vector<16xi32>,
    %min3A_20 = arith.constant 0 : i32
    %min3A_21 = vector.broadcast %min3A_20 : i32 to vector<16xi32>
    %min3A_22 = arith.minsi %get3A_19, %min3A_21 : vector<16xi32>
    %add3A_23 = arith.addi %add3A_17, %min3A_22 : vector<16xi32>
    %get3A_24 = arith.constant 48 : index
    %get3A_25 = tpu.vector_load %arg5[%get3A_24] {strides = array<i32>} : memref<256xi32, #tpu.memory_space<vmem>>, vector<16xi32>,
    %min3A_26 = arith.constant 0 : i32
    %min3A_27 = vector.broadcast %min3A_26 : i32 to vector<16xi32>
    %min3A_28 = arith.minsi %get3A_25, %min3A_27 : vector<16xi32>
    %add3A_29 = arith.addi %add3A_23, %min3A_28 : vector<16xi32>
    %get3A_30 = arith.constant 64 : index
    %get3A_31 = tpu.vector_load %arg5[%get3A_30] {strides = array<i32>} : memref<256xi32, #tpu.memory_space<vmem>>, vector<16xi32>,
    %min3A_32 = arith.constant 0 : i32
    %min3A_33 = vector.broadcast %min3A_32 : i32 to vector<16xi32>
    %min3A_34 = arith.minsi %get3A_31, %min3A_33 : vector<16xi32>
    %add3A_35 = arith.addi %add3A_29, %min3A_34 : vector<16xi32>
    %get3A_36 = arith.constant 80 : index
    %get3A_37 = tpu.vector_load %arg5[%get3A_36] {strides = array<i32>} : memref<256xi32, #tpu.memory_space<vmem>>, vector<16xi32>,
    %min3A_38 = arith.constant 0 : i32
    %min3A_39 = vector.broadcast %min3A_38 : i32 to vector<16xi32>
    %min3A_40 = arith.minsi %get3A_37, %min3A_39 : vector<16xi32>
    %add3A_41 = arith.addi %add3A_35, %min3A_40 : vector<16xi32>
    %get3A_42 = arith.constant 96 : index
    %get3A_43 = tpu.vector_load %arg5[%get3A_42] {strides = array<i32>} : memref<256xi32, #tpu.memory_space<vmem>>, vector<16xi32>,
    %min3A_44 = arith.constant 0 : i32
    %min3A_45 = vector.broadcast %min3A_44 : i32 to vector<16xi32>
    %min3A_46 = arith.minsi %get3A_43, %min3A_45 : vector<16xi32>
    %add3A_47 = arith.addi %add3A_41, %min3A_46 : vector<16xi32>
    %get3A_48 = arith.constant 112 : index
    %get3A_49 = tpu.vector_load %arg5[%get3A_48] {strides = array<i32>} : memref<256xi32, #tpu.memory_space<vmem>>, vector<16xi32>,
    %min3A_50 = arith.constant 0 : i32
    %min3A_51 = vector.broadcast %min3A_50 : i32 to vector<16xi32>
    %min3A_52 = arith.minsi %get3A_49, %min3A_51 : vector<16xi32>
    %add3A_53 = arith.addi %add3A_47, %min3A_52 : vector<16xi32>
    %neg3A = arith.constant 0 : i32
    %neg3A_54 = vector.broadcast %neg3A : i32 to vector<16xi32>
    %neg3A_55 = arith.subi %neg3A_54, %add3A_53 : vector<16xi32>
    %swap3A = arith.constant 0 : index
    %swap3A_56 = tpu.vector_load %arg7[%swap3A] {strides = array<i32>} : memref<32xi32, #tpu.memory_space<vmem>>, vector<16xi32>,
    tpu.vector_store %arg7[%swap3A], %neg3A_55 {strides = array<i32>} : memref<32xi32, #tpu.memory_space<vmem>>, vector<16xi32>,
    %broadcast_in_dim3A_57 = arith.constant 0 : i32
    %broadcast_in_dim3A_58 = vector.broadcast %broadcast_in_dim3A_57 : i32 to vector<16xi32>
    %get3A_59 = arith.constant 128 : index
    %get3A_60 = tpu.vector_load %arg5[%get3A_59] {strides = array<i32>} : memref<256xi32, #tpu.memory_space<vmem>>, vector<16xi32>,
    %min3A_61 = arith.constant 0 : i32
    %min3A_62 = vector.broadcast %min3A_61 : i32 to vector<16xi32>
    %min3A_63 = arith.minsi %get3A_60, %min3A_62 : vector<16xi32>
    %add3A_64 = arith.addi %broadcast_in_dim3A_58, %min3A_63 : vector<16xi32>
    %get3A_65 = arith.constant 144 : index
    %get3A_66 = tpu.vector_load %arg5[%get3A_65] {strides = array<i32>} : memref<256xi32, #tpu.memory_space<vmem>>, vector<16xi32>,
    %min3A_67 = arith.constant 0 : i32
    %min3A_68 = vector.broadcast %min3A_67 : i32 to vector<16xi32>
    %min3A_69 = arith.minsi %get3A_66, %min3A_68 : vector<16xi32>
    %add3A_70 = arith.addi %add3A_64, %min3A_69 : vector<16xi32>
    %get3A_71 = arith.constant 160 : index
    %get3A_72 = tpu.vector_load %arg5[%get3A_71] {strides = array<i32>} : memref<256xi32, #tpu.memory_space<vmem>>, vector<16xi32>,
    %min3A_73 = arith.constant 0 : i32
    %min3A_74 = vector.broadcast %min3A_73 : i32 to vector<16xi32>
    %min3A_75 = arith.minsi %get3A_72, %min3A_74 : vector<16xi32>
    %add3A_76 = arith.addi %add3A_70, %min3A_75 : vector<16xi32>
    %get3A_77 = arith.constant 176 : index
    %get3A_78 = tpu.vector_load %arg5[%get3A_77] {strides = array<i32>} : memref<256xi32, #tpu.memory_space<vmem>>, vector<16xi32>,
    %min3A_79 = arith.constant 0 : i32
    %min3A_80 = vector.broadcast %min3A_79 : i32 to vector<16xi32>
    %min3A_81 = arith.minsi %get3A_78, %min3A_80 : vector<16xi32>
    %add3A_82 = arith.addi %add3A_76, %min3A_81 : vector<16xi32>
    %get3A_83 = arith.constant 192 : index
    %get3A_84 = tpu.vector_load %arg5[%get3A_83] {strides = array<i32>} : memref<256xi32, #tpu.memory_space<vmem>>, vector<16xi32>,
    %min3A_85 = arith.constant 0 : i32
    %min3A_86 = vector.broadcast %min3A_85 : i32 to vector<16xi32>
    %min3A_87 = arith.minsi %get3A_84, %min3A_86 : vector<16xi32>
    %add3A_88 = arith.addi %add3A_82, %min3A_87 : vector<16xi32>
    %get3A_89 = arith.constant 208 : index
    %get3A_90 = tpu.vector_load %arg5[%get3A_89] {strides = array<i32>} : memref<256xi32, #tpu.memory_space<vmem>>, vector<16xi32>,
    %min3A_91 = arith.constant 0 : i32
    %min3A_92 = vector.broadcast %min3A_91 : i32 to vector<16xi32>
    %min3A_93 = arith.minsi %get3A_90, %min3A_92 : vector<16xi32>
    %add3A_94 = arith.addi %add3A_88, %min3A_93 : vector<16xi32>
    %get3A_95 = arith.constant 224 : index
    %get3A_96 = tpu.vector_load %arg5[%get3A_95] {strides = array<i32>} : memref<256xi32, #tpu.memory_space<vmem>>, vector<16xi32>,
    %min3A_97 = arith.constant 0 : i32
    %min3A_98 = vector.broadcast %min3A_97 : i32 to vector<16xi32>
    %min3A_99 = arith.minsi %get3A_96, %min3A_98 : vector<16xi32>
    %add3A_100 = arith.addi %add3A_94, %min3A_99 : vector<16xi32>
    %get3A_101 = arith.constant 240 : index
    %get3A_102 = tpu.vector_load %arg5[%get3A_101] {strides = array<i32>} : memref<256xi32, #tpu.memory_space<vmem>>, vector<16xi32>,
    %min3A_103 = arith.constant 0 : i32
    %min3A_104 = vector.broadcast %min3A_103 : i32 to vector<16xi32>
    %min3A_105 = arith.minsi %get3A_102, %min3A_104 : vector<16xi32>
    %add3A_106 = arith.addi %add3A_100, %min3A_105 : vector<16xi32>
    %neg3A_107 = arith.constant 0 : i32
    %neg3A_108 = vector.broadcast %neg3A_107 : i32 to vector<16xi32>
    %neg3A_109 = arith.subi %neg3A_108, %add3A_106 : vector<16xi32>
    %swap3A_110 = arith.constant 16 : index
    %swap3A_111 = tpu.vector_load %arg7[%swap3A_110] {strides = array<i32>} : memref<32xi32, #tpu.memory_space<vmem>>, vector<16xi32>,
    tpu.vector_store %arg7[%swap3A_110], %neg3A_109 {strides = array<i32>} : memref<32xi32, #tpu.memory_space<vmem>>, vector<16xi32>,
    %mul3A_112 = arith.constant 2 : i32
    %mul3A_113 = arith.muli %arg1, %mul3A_112 : i32
    %mul3A_114 = arith.constant 16 : i32
    %mul3A_115 = arith.muli %mul3A_113, %mul3A_114 : i32
    "tpu.region"() ({
      %run_scoped3A = tpu.sem_alloc : memref<!tpu.dma_semaphore, #tpu.memory_space<semaphore_mem>>
      %dma_start3A_386 = tpu.memref_slice %arg9[%mul3A_115] : memref<512xi32, #tpu.memory_space<vmem_shared>> -> memref<32xi32, #tpu.memory_space<vmem_shared>>
      %dma_start3A_387 = tpu.memref_slice %arg9[%mul3A_115] : memref<512xi32, #tpu.memory_space<vmem_shared>> -> memref<32xi32, #tpu.memory_space<vmem_shared>>
      tpu.enqueue_dma source(%arg7 : memref<32xi32, #tpu.memory_space<vmem>>) target(%dma_start3A_387 : memref<32xi32, #tpu.memory_space<vmem_shared>>) target_semaphore(%run_scoped3A : memref<!tpu.dma_semaphore, #tpu.memory_space<semaphore_mem>>)
      %dma_wait3A_388 = tpu.memref_slice %arg9[%mul3A_115] : memref<512xi32, #tpu.memory_space<vmem_shared>> -> memref<32xi32, #tpu.memory_space<vmem_shared>>
      %dma_wait3A_389 = tpu.memref_slice %arg9[%mul3A_115] : memref<512xi32, #tpu.memory_space<vmem_shared>> -> memref<32xi32, #tpu.memory_space<vmem_shared>>
      tpu.wait_dma2 semaphore(%run_scoped3A : memref<!tpu.dma_semaphore, #tpu.memory_space<semaphore_mem>>) src(%arg7 : memref<32xi32, #tpu.memory_space<vmem>>) dst(%dma_wait3A_389 : memref<32xi32, #tpu.memory_space<vmem_shared>>)
      tpu.yield
    }) : () -> ()
    %barrier3A = arith.constant 0 : index
    tpu.barrier barrier_id(%barrier3A)
    "tpu.region"() ({
      %run_scoped3A = tpu.sem_alloc : memref<!tpu.dma_semaphore, #tpu.memory_space<semaphore_mem>>
      tpu.enqueue_dma source(%arg9 : memref<512xi32, #tpu.memory_space<vmem_shared>>) target(%arg8 : memref<512xi32, #tpu.memory_space<vmem>>) target_semaphore(%run_scoped3A : memref<!tpu.dma_semaphore, #tpu.memory_space<semaphore_mem>>)
      tpu.wait_dma2 semaphore(%run_scoped3A : memref<!tpu.dma_semaphore, #tpu.memory_space<semaphore_mem>>) src(%arg9 : memref<512xi32, #tpu.memory_space<vmem_shared>>) dst(%arg8 : memref<512xi32, #tpu.memory_space<vmem>>)
      tpu.yield
    }) : () -> ()
    %broadcast_in_dim3A_116 = arith.constant 0 : i32
    %broadcast_in_dim3A_117 = vector.broadcast %broadcast_in_dim3A_116 : i32 to vector<16xi32>
    %while3A = arith.constant 0 : i32
    %while3A_118 = arith.subi %add3A, %while3A : i32
    %while3A_119 = arith.addi %while3A, %while3A_118 : i32
    %while3A_120 = arith.constant 1 : i32
    %while3A_121 = arith.divsi %while3A_118, %while3A_120 : i32
    %while3A_122 = arith.muli %while3A_121, %while3A_120 : i32
    %while3A_123 = arith.addi %while3A, %while3A_122 : i32
    %while3A_124 = arith.constant 1 : i32
    %while3A_125 = scf.for %while3A_386 = %while3A to %while3A_123 step %while3A_124 iter_args(%while3A_387 = %broadcast_in_dim3A_117) -> (vector<16xi32>)  : i32 {
      %mul3A_388 = arith.constant 16 : i32
      %mul3A_389 = arith.muli %while3A_386, %mul3A_388 : i32
      %get3A_390 = arith.index_cast %mul3A_389 : i32 to index
      %get3A_391 = tpu.vector_load %arg8[%get3A_390] {strides = array<i32>} : memref<512xi32, #tpu.memory_space<vmem>>, vector<16xi32>,
      %add3A_392 = arith.addi %while3A_387, %get3A_391 : vector<16xi32>
      scf.yield %add3A_392 : vector<16xi32>
    }
    %while3A_126 = arith.constant 1 : i32
    %while3A_127 = scf.for %while3A_386 = %while3A_123 to %while3A_119 step %while3A_126 iter_args(%while3A_387 = %while3A_125) -> (vector<16xi32>)  : i32 {
      %mul3A_388 = arith.constant 16 : i32
      %mul3A_389 = arith.muli %while3A_386, %mul3A_388 : i32
      %get3A_390 = arith.index_cast %mul3A_389 : i32 to index
      %get3A_391 = tpu.vector_load %arg8[%get3A_390] {strides = array<i32>} : memref<512xi32, #tpu.memory_space<vmem>>, vector<16xi32>,
      %add3A_392 = arith.addi %while3A_387, %get3A_391 : vector<16xi32>
      scf.yield %add3A_392 : vector<16xi32>
    }
    %reduce_sum3A = arith.constant true
    %reduce_sum3A_128 = vector.broadcast %reduce_sum3A : i1 to vector<16xi1>
    %reduce_sum3A_129 = tpu.scan <sum>, %while3A_127 masked %reduce_sum3A_128 : vector<16xi32>, vector<16xi1> -> vector<16xi32>
    %reduce_sum3A_130 = vector.extract %reduce_sum3A_129[15] : i32 from vector<16xi32>
    %mul3A_131 = arith.constant 128 : i32
    %mul3A_132 = arith.muli %arg0, %mul3A_131 : i32
    %add3A_133 = arith.constant 0 : i32
    %add3A_134 = arith.addi %mul3A_132, %add3A_133 : i32
    %get3A_135 = arith.index_cast %add3A_134 : i32 to index
    %get3A_136 = tpu.vector_load %arg5[%get3A_135] {strides = array<i32>} : memref<256xi32, #tpu.memory_space<vmem>>, vector<16xi32>,
    %eq3A = arith.constant -1 : i32
    %eq3A_137 = vector.broadcast %eq3A : i32 to vector<16xi32>
    %eq3A_138 = arith.cmpi eq, %get3A_136, %eq3A_137 : vector<16xi32>
    %jit3A = arith.constant 1 : i32
    %jit3A_139 = arith.constant 0 : i32
    %broadcast_in_dim3A_140 = vector.broadcast %jit3A : i32 to vector<16xi32>
    %broadcast_in_dim3A_141 = vector.broadcast %jit3A_139 : i32 to vector<16xi32>
    %select_n3A = arith.select %eq3A_138, %broadcast_in_dim3A_140, %broadcast_in_dim3A_141 : vector<16xi1>, vector<16xi32>
    %broadcast_in_dim3A_142 = arith.constant true
    %broadcast_in_dim3A_143 = vector.broadcast %broadcast_in_dim3A_142 : i1 to vector<16xi1>
    %masked_cumsum3A = tpu.scan <sum>, %select_n3A masked %broadcast_in_dim3A_143 : vector<16xi32>, vector<16xi1> -> vector<16xi32>
    %add3A_144 = vector.broadcast %reduce_sum3A_130 : i32 to vector<16xi32>
    %add3A_145 = arith.addi %add3A_144, %masked_cumsum3A : vector<16xi32>
    %sub3A = arith.constant 1 : i32
    %sub3A_146 = vector.broadcast %sub3A : i32 to vector<16xi32>
    %sub3A_147 = arith.subi %add3A_145, %sub3A_146 : vector<16xi32>
    %select_n3A_148 = arith.select %eq3A_138, %sub3A_147, %get3A_136 : vector<16xi1>, vector<16xi32>
    %swap3A_149 = arith.constant 0 : index
    %swap3A_150 = tpu.vector_load %arg6[%swap3A_149] {strides = array<i32>} : memref<128xi32, #tpu.memory_space<vmem>>, vector<16xi32>,
    tpu.vector_store %arg6[%swap3A_149], %select_n3A_148 {strides = array<i32>} : memref<128xi32, #tpu.memory_space<vmem>>, vector<16xi32>,
    %reduce_sum3A_151 = arith.constant true
    %reduce_sum3A_152 = vector.broadcast %reduce_sum3A_151 : i1 to vector<16xi1>
    %reduce_sum3A_153 = tpu.scan <sum>, %select_n3A masked %reduce_sum3A_152 : vector<16xi32>, vector<16xi1> -> vector<16xi32>
    %reduce_sum3A_154 = vector.extract %reduce_sum3A_153[15] : i32 from vector<16xi32>
    %add3A_155 = arith.addi %reduce_sum3A_130, %reduce_sum3A_154 : i32
    %mul3A_156 = arith.constant 128 : i32
    %mul3A_157 = arith.muli %arg0, %mul3A_156 : i32
    %add3A_158 = arith.constant 16 : i32
    %add3A_159 = arith.addi %mul3A_157, %add3A_158 : i32
    %get3A_160 = arith.index_cast %add3A_159 : i32 to index
    %get3A_161 = tpu.vector_load %arg5[%get3A_160] {strides = array<i32>} : memref<256xi32, #tpu.memory_space<vmem>>, vector<16xi32>,
    %eq3A_162 = arith.constant -1 : i32
    %eq3A_163 = vector.broadcast %eq3A_162 : i32 to vector<16xi32>
    %eq3A_164 = arith.cmpi eq, %get3A_161, %eq3A_163 : vector<16xi32>
    %jit3A_165 = arith.constant 1 : i32
    %jit3A_166 = arith.constant 0 : i32
    %broadcast_in_dim3A_167 = vector.broadcast %jit3A_165 : i32 to vector<16xi32>
    %broadcast_in_dim3A_168 = vector.broadcast %jit3A_166 : i32 to vector<16xi32>
    %select_n3A_169 = arith.select %eq3A_164, %broadcast_in_dim3A_167, %broadcast_in_dim3A_168 : vector<16xi1>, vector<16xi32>
    %broadcast_in_dim3A_170 = arith.constant true
    %broadcast_in_dim3A_171 = vector.broadcast %broadcast_in_dim3A_170 : i1 to vector<16xi1>
    %masked_cumsum3A_172 = tpu.scan <sum>, %select_n3A_169 masked %broadcast_in_dim3A_171 : vector<16xi32>, vector<16xi1> -> vector<16xi32>
    %add3A_173 = vector.broadcast %add3A_155 : i32 to vector<16xi32>
    %add3A_174 = arith.addi %add3A_173, %masked_cumsum3A_172 : vector<16xi32>
    %sub3A_175 = arith.constant 1 : i32
    %sub3A_176 = vector.broadcast %sub3A_175 : i32 to vector<16xi32>
    %sub3A_177 = arith.subi %add3A_174, %sub3A_176 : vector<16xi32>
    %select_n3A_178 = arith.select %eq3A_164, %sub3A_177, %get3A_161 : vector<16xi1>, vector<16xi32>
    %swap3A_179 = arith.constant 16 : index
    %swap3A_180 = tpu.vector_load %arg6[%swap3A_179] {strides = array<i32>} : memref<128xi32, #tpu.memory_space<vmem>>, vector<16xi32>,
    tpu.vector_store %arg6[%swap3A_179], %select_n3A_178 {strides = array<i32>} : memref<128xi32, #tpu.memory_space<vmem>>, vector<16xi32>,
    %reduce_sum3A_181 = arith.constant true
    %reduce_sum3A_182 = vector.broadcast %reduce_sum3A_181 : i1 to vector<16xi1>
    %reduce_sum3A_183 = tpu.scan <sum>, %select_n3A_169 masked %reduce_sum3A_182 : vector<16xi32>, vector<16xi1> -> vector<16xi32>
    %reduce_sum3A_184 = vector.extract %reduce_sum3A_183[15] : i32 from vector<16xi32>
    %add3A_185 = arith.addi %add3A_155, %reduce_sum3A_184 : i32
    %mul3A_186 = arith.constant 128 : i32
    %mul3A_187 = arith.muli %arg0, %mul3A_186 : i32
    %add3A_188 = arith.constant 32 : i32
    %add3A_189 = arith.addi %mul3A_187, %add3A_188 : i32
    %get3A_190 = arith.index_cast %add3A_189 : i32 to index
    %get3A_191 = tpu.vector_load %arg5[%get3A_190] {strides = array<i32>} : memref<256xi32, #tpu.memory_space<vmem>>, vector<16xi32>,
    %eq3A_192 = arith.constant -1 : i32
    %eq3A_193 = vector.broadcast %eq3A_192 : i32 to vector<16xi32>
    %eq3A_194 = arith.cmpi eq, %get3A_191, %eq3A_193 : vector<16xi32>
    %jit3A_195 = arith.constant 1 : i32
    %jit3A_196 = arith.constant 0 : i32
    %broadcast_in_dim3A_197 = vector.broadcast %jit3A_195 : i32 to vector<16xi32>
    %broadcast_in_dim3A_198 = vector.broadcast %jit3A_196 : i32 to vector<16xi32>
    %select_n3A_199 = arith.select %eq3A_194, %broadcast_in_dim3A_197, %broadcast_in_dim3A_198 : vector<16xi1>, vector<16xi32>
    %broadcast_in_dim3A_200 = arith.constant true
    %broadcast_in_dim3A_201 = vector.broadcast %broadcast_in_dim3A_200 : i1 to vector<16xi1>
    %masked_cumsum3A_202 = tpu.scan <sum>, %select_n3A_199 masked %broadcast_in_dim3A_201 : vector<16xi32>, vector<16xi1> -> vector<16xi32>
    %add3A_203 = vector.broadcast %add3A_185 : i32 to vector<16xi32>
    %add3A_204 = arith.addi %add3A_203, %masked_cumsum3A_202 : vector<16xi32>
    %sub3A_205 = arith.constant 1 : i32
    %sub3A_206 = vector.broadcast %sub3A_205 : i32 to vector<16xi32>
    %sub3A_207 = arith.subi %add3A_204, %sub3A_206 : vector<16xi32>
    %select_n3A_208 = arith.select %eq3A_194, %sub3A_207, %get3A_191 : vector<16xi1>, vector<16xi32>
    %swap3A_209 = arith.constant 32 : index
    %swap3A_210 = tpu.vector_load %arg6[%swap3A_209] {strides = array<i32>} : memref<128xi32, #tpu.memory_space<vmem>>, vector<16xi32>,
    tpu.vector_store %arg6[%swap3A_209], %select_n3A_208 {strides = array<i32>} : memref<128xi32, #tpu.memory_space<vmem>>, vector<16xi32>,
    %reduce_sum3A_211 = arith.constant true
    %reduce_sum3A_212 = vector.broadcast %reduce_sum3A_211 : i1 to vector<16xi1>
    %reduce_sum3A_213 = tpu.scan <sum>, %select_n3A_199 masked %reduce_sum3A_212 : vector<16xi32>, vector<16xi1> -> vector<16xi32>
    %reduce_sum3A_214 = vector.extract %reduce_sum3A_213[15] : i32 from vector<16xi32>
    %add3A_215 = arith.addi %add3A_185, %reduce_sum3A_214 : i32
    %mul3A_216 = arith.constant 128 : i32
    %mul3A_217 = arith.muli %arg0, %mul3A_216 : i32
    %add3A_218 = arith.constant 48 : i32
    %add3A_219 = arith.addi %mul3A_217, %add3A_218 : i32
    %get3A_220 = arith.index_cast %add3A_219 : i32 to index
    %get3A_221 = tpu.vector_load %arg5[%get3A_220] {strides = array<i32>} : memref<256xi32, #tpu.memory_space<vmem>>, vector<16xi32>,
    %eq3A_222 = arith.constant -1 : i32
    %eq3A_223 = vector.broadcast %eq3A_222 : i32 to vector<16xi32>
    %eq3A_224 = arith.cmpi eq, %get3A_221, %eq3A_223 : vector<16xi32>
    %jit3A_225 = arith.constant 1 : i32
    %jit3A_226 = arith.constant 0 : i32
    %broadcast_in_dim3A_227 = vector.broadcast %jit3A_225 : i32 to vector<16xi32>
    %broadcast_in_dim3A_228 = vector.broadcast %jit3A_226 : i32 to vector<16xi32>
    %select_n3A_229 = arith.select %eq3A_224, %broadcast_in_dim3A_227, %broadcast_in_dim3A_228 : vector<16xi1>, vector<16xi32>
    %broadcast_in_dim3A_230 = arith.constant true
    %broadcast_in_dim3A_231 = vector.broadcast %broadcast_in_dim3A_230 : i1 to vector<16xi1>
    %masked_cumsum3A_232 = tpu.scan <sum>, %select_n3A_229 masked %broadcast_in_dim3A_231 : vector<16xi32>, vector<16xi1> -> vector<16xi32>
    %add3A_233 = vector.broadcast %add3A_215 : i32 to vector<16xi32>
    %add3A_234 = arith.addi %add3A_233, %masked_cumsum3A_232 : vector<16xi32>
    %sub3A_235 = arith.constant 1 : i32
    %sub3A_236 = vector.broadcast %sub3A_235 : i32 to vector<16xi32>
    %sub3A_237 = arith.subi %add3A_234, %sub3A_236 : vector<16xi32>
    %select_n3A_238 = arith.select %eq3A_224, %sub3A_237, %get3A_221 : vector<16xi1>, vector<16xi32>
    %swap3A_239 = arith.constant 48 : index
    %swap3A_240 = tpu.vector_load %arg6[%swap3A_239] {strides = array<i32>} : memref<128xi32, #tpu.memory_space<vmem>>, vector<16xi32>,
    tpu.vector_store %arg6[%swap3A_239], %select_n3A_238 {strides = array<i32>} : memref<128xi32, #tpu.memory_space<vmem>>, vector<16xi32>,
    %reduce_sum3A_241 = arith.constant true
    %reduce_sum3A_242 = vector.broadcast %reduce_sum3A_241 : i1 to vector<16xi1>
    %reduce_sum3A_243 = tpu.scan <sum>, %select_n3A_229 masked %reduce_sum3A_242 : vector<16xi32>, vector<16xi1> -> vector<16xi32>
    %reduce_sum3A_244 = vector.extract %reduce_sum3A_243[15] : i32 from vector<16xi32>
    %add3A_245 = arith.addi %add3A_215, %reduce_sum3A_244 : i32
    %mul3A_246 = arith.constant 128 : i32
    %mul3A_247 = arith.muli %arg0, %mul3A_246 : i32
    %add3A_248 = arith.constant 64 : i32
    %add3A_249 = arith.addi %mul3A_247, %add3A_248 : i32
    %get3A_250 = arith.index_cast %add3A_249 : i32 to index
    %get3A_251 = tpu.vector_load %arg5[%get3A_250] {strides = array<i32>} : memref<256xi32, #tpu.memory_space<vmem>>, vector<16xi32>,
    %eq3A_252 = arith.constant -1 : i32
    %eq3A_253 = vector.broadcast %eq3A_252 : i32 to vector<16xi32>
    %eq3A_254 = arith.cmpi eq, %get3A_251, %eq3A_253 : vector<16xi32>
    %jit3A_255 = arith.constant 1 : i32
    %jit3A_256 = arith.constant 0 : i32
    %broadcast_in_dim3A_257 = vector.broadcast %jit3A_255 : i32 to vector<16xi32>
    %broadcast_in_dim3A_258 = vector.broadcast %jit3A_256 : i32 to vector<16xi32>
    %select_n3A_259 = arith.select %eq3A_254, %broadcast_in_dim3A_257, %broadcast_in_dim3A_258 : vector<16xi1>, vector<16xi32>
    %broadcast_in_dim3A_260 = arith.constant true
    %broadcast_in_dim3A_261 = vector.broadcast %broadcast_in_dim3A_260 : i1 to vector<16xi1>
    %masked_cumsum3A_262 = tpu.scan <sum>, %select_n3A_259 masked %broadcast_in_dim3A_261 : vector<16xi32>, vector<16xi1> -> vector<16xi32>
    %add3A_263 = vector.broadcast %add3A_245 : i32 to vector<16xi32>
    %add3A_264 = arith.addi %add3A_263, %masked_cumsum3A_262 : vector<16xi32>
    %sub3A_265 = arith.constant 1 : i32
    %sub3A_266 = vector.broadcast %sub3A_265 : i32 to vector<16xi32>
    %sub3A_267 = arith.subi %add3A_264, %sub3A_266 : vector<16xi32>
    %select_n3A_268 = arith.select %eq3A_254, %sub3A_267, %get3A_251 : vector<16xi1>, vector<16xi32>
    %swap3A_269 = arith.constant 64 : index
    %swap3A_270 = tpu.vector_load %arg6[%swap3A_269] {strides = array<i32>} : memref<128xi32, #tpu.memory_space<vmem>>, vector<16xi32>,
    tpu.vector_store %arg6[%swap3A_269], %select_n3A_268 {strides = array<i32>} : memref<128xi32, #tpu.memory_space<vmem>>, vector<16xi32>,
    %reduce_sum3A_271 = arith.constant true
    %reduce_sum3A_272 = vector.broadcast %reduce_sum3A_271 : i1 to vector<16xi1>
    %reduce_sum3A_273 = tpu.scan <sum>, %select_n3A_259 masked %reduce_sum3A_272 : vector<16xi32>, vector<16xi1> -> vector<16xi32>
    %reduce_sum3A_274 = vector.extract %reduce_sum3A_273[15] : i32 from vector<16xi32>
    %add3A_275 = arith.addi %add3A_245, %reduce_sum3A_274 : i32
    %mul3A_276 = arith.constant 128 : i32
    %mul3A_277 = arith.muli %arg0, %mul3A_276 : i32
    %add3A_278 = arith.constant 80 : i32
    %add3A_279 = arith.addi %mul3A_277, %add3A_278 : i32
    %get3A_280 = arith.index_cast %add3A_279 : i32 to index
    %get3A_281 = tpu.vector_load %arg5[%get3A_280] {strides = array<i32>} : memref<256xi32, #tpu.memory_space<vmem>>, vector<16xi32>,
    %eq3A_282 = arith.constant -1 : i32
    %eq3A_283 = vector.broadcast %eq3A_282 : i32 to vector<16xi32>
    %eq3A_284 = arith.cmpi eq, %get3A_281, %eq3A_283 : vector<16xi32>
    %jit3A_285 = arith.constant 1 : i32
    %jit3A_286 = arith.constant 0 : i32
    %broadcast_in_dim3A_287 = vector.broadcast %jit3A_285 : i32 to vector<16xi32>
    %broadcast_in_dim3A_288 = vector.broadcast %jit3A_286 : i32 to vector<16xi32>
    %select_n3A_289 = arith.select %eq3A_284, %broadcast_in_dim3A_287, %broadcast_in_dim3A_288 : vector<16xi1>, vector<16xi32>
    %broadcast_in_dim3A_290 = arith.constant true
    %broadcast_in_dim3A_291 = vector.broadcast %broadcast_in_dim3A_290 : i1 to vector<16xi1>
    %masked_cumsum3A_292 = tpu.scan <sum>, %select_n3A_289 masked %broadcast_in_dim3A_291 : vector<16xi32>, vector<16xi1> -> vector<16xi32>
    %add3A_293 = vector.broadcast %add3A_275 : i32 to vector<16xi32>
    %add3A_294 = arith.addi %add3A_293, %masked_cumsum3A_292 : vector<16xi32>
    %sub3A_295 = arith.constant 1 : i32
    %sub3A_296 = vector.broadcast %sub3A_295 : i32 to vector<16xi32>
    %sub3A_297 = arith.subi %add3A_294, %sub3A_296 : vector<16xi32>
    %select_n3A_298 = arith.select %eq3A_284, %sub3A_297, %get3A_281 : vector<16xi1>, vector<16xi32>
    %swap3A_299 = arith.constant 80 : index
    %swap3A_300 = tpu.vector_load %arg6[%swap3A_299] {strides = array<i32>} : memref<128xi32, #tpu.memory_space<vmem>>, vector<16xi32>,
    tpu.vector_store %arg6[%swap3A_299], %select_n3A_298 {strides = array<i32>} : memref<128xi32, #tpu.memory_space<vmem>>, vector<16xi32>,
    %reduce_sum3A_301 = arith.constant true
    %reduce_sum3A_302 = vector.broadcast %reduce_sum3A_301 : i1 to vector<16xi1>
    %reduce_sum3A_303 = tpu.scan <sum>, %select_n3A_289 masked %reduce_sum3A_302 : vector<16xi32>, vector<16xi1> -> vector<16xi32>
    %reduce_sum3A_304 = vector.extract %reduce_sum3A_303[15] : i32 from vector<16xi32>
    %add3A_305 = arith.addi %add3A_275, %reduce_sum3A_304 : i32
    %mul3A_306 = arith.constant 128 : i32
    %mul3A_307 = arith.muli %arg0, %mul3A_306 : i32
    %add3A_308 = arith.constant 96 : i32
    %add3A_309 = arith.addi %mul3A_307, %add3A_308 : i32
    %get3A_310 = arith.index_cast %add3A_309 : i32 to index
    %get3A_311 = tpu.vector_load %arg5[%get3A_310] {strides = array<i32>} : memref<256xi32, #tpu.memory_space<vmem>>, vector<16xi32>,
    %eq3A_312 = arith.constant -1 : i32
    %eq3A_313 = vector.broadcast %eq3A_312 : i32 to vector<16xi32>
    %eq3A_314 = arith.cmpi eq, %get3A_311, %eq3A_313 : vector<16xi32>
    %jit3A_315 = arith.constant 1 : i32
    %jit3A_316 = arith.constant 0 : i32
    %broadcast_in_dim3A_317 = vector.broadcast %jit3A_315 : i32 to vector<16xi32>
    %broadcast_in_dim3A_318 = vector.broadcast %jit3A_316 : i32 to vector<16xi32>
    %select_n3A_319 = arith.select %eq3A_314, %broadcast_in_dim3A_317, %broadcast_in_dim3A_318 : vector<16xi1>, vector<16xi32>
    %broadcast_in_dim3A_320 = arith.constant true
    %broadcast_in_dim3A_321 = vector.broadcast %broadcast_in_dim3A_320 : i1 to vector<16xi1>
    %masked_cumsum3A_322 = tpu.scan <sum>, %select_n3A_319 masked %broadcast_in_dim3A_321 : vector<16xi32>, vector<16xi1> -> vector<16xi32>
    %add3A_323 = vector.broadcast %add3A_305 : i32 to vector<16xi32>
    %add3A_324 = arith.addi %add3A_323, %masked_cumsum3A_322 : vector<16xi32>
    %sub3A_325 = arith.constant 1 : i32
    %sub3A_326 = vector.broadcast %sub3A_325 : i32 to vector<16xi32>
    %sub3A_327 = arith.subi %add3A_324, %sub3A_326 : vector<16xi32>
    %select_n3A_328 = arith.select %eq3A_314, %sub3A_327, %get3A_311 : vector<16xi1>, vector<16xi32>
    %swap3A_329 = arith.constant 96 : index
    %swap3A_330 = tpu.vector_load %arg6[%swap3A_329] {strides = array<i32>} : memref<128xi32, #tpu.memory_space<vmem>>, vector<16xi32>,
    tpu.vector_store %arg6[%swap3A_329], %select_n3A_328 {strides = array<i32>} : memref<128xi32, #tpu.memory_space<vmem>>, vector<16xi32>,
    %reduce_sum3A_331 = arith.constant true
    %reduce_sum3A_332 = vector.broadcast %reduce_sum3A_331 : i1 to vector<16xi1>
    %reduce_sum3A_333 = tpu.scan <sum>, %select_n3A_319 masked %reduce_sum3A_332 : vector<16xi32>, vector<16xi1> -> vector<16xi32>
    %reduce_sum3A_334 = vector.extract %reduce_sum3A_333[15] : i32 from vector<16xi32>
    %add3A_335 = arith.addi %add3A_305, %reduce_sum3A_334 : i32
    %mul3A_336 = arith.constant 128 : i32
    %mul3A_337 = arith.muli %arg0, %mul3A_336 : i32
    %add3A_338 = arith.constant 112 : i32
    %add3A_339 = arith.addi %mul3A_337, %add3A_338 : i32
    %get3A_340 = arith.index_cast %add3A_339 : i32 to index
    %get3A_341 = tpu.vector_load %arg5[%get3A_340] {strides = array<i32>} : memref<256xi32, #tpu.memory_space<vmem>>, vector<16xi32>,
    %eq3A_342 = arith.constant -1 : i32
    %eq3A_343 = vector.broadcast %eq3A_342 : i32 to vector<16xi32>
    %eq3A_344 = arith.cmpi eq, %get3A_341, %eq3A_343 : vector<16xi32>
    %jit3A_345 = arith.constant 1 : i32
    %jit3A_346 = arith.constant 0 : i32
    %broadcast_in_dim3A_347 = vector.broadcast %jit3A_345 : i32 to vector<16xi32>
    %broadcast_in_dim3A_348 = vector.broadcast %jit3A_346 : i32 to vector<16xi32>
    %select_n3A_349 = arith.select %eq3A_344, %broadcast_in_dim3A_347, %broadcast_in_dim3A_348 : vector<16xi1>, vector<16xi32>
    %broadcast_in_dim3A_350 = arith.constant true
    %broadcast_in_dim3A_351 = vector.broadcast %broadcast_in_dim3A_350 : i1 to vector<16xi1>
    %masked_cumsum3A_352 = tpu.scan <sum>, %select_n3A_349 masked %broadcast_in_dim3A_351 : vector<16xi32>, vector<16xi1> -> vector<16xi32>
    %add3A_353 = vector.broadcast %add3A_335 : i32 to vector<16xi32>
    %add3A_354 = arith.addi %add3A_353, %masked_cumsum3A_352 : vector<16xi32>
    %sub3A_355 = arith.constant 1 : i32
    %sub3A_356 = vector.broadcast %sub3A_355 : i32 to vector<16xi32>
    %sub3A_357 = arith.subi %add3A_354, %sub3A_356 : vector<16xi32>
    %select_n3A_358 = arith.select %eq3A_344, %sub3A_357, %get3A_341 : vector<16xi1>, vector<16xi32>
    %swap3A_359 = arith.constant 112 : index
    %swap3A_360 = tpu.vector_load %arg6[%swap3A_359] {strides = array<i32>} : memref<128xi32, #tpu.memory_space<vmem>>, vector<16xi32>,
    tpu.vector_store %arg6[%swap3A_359], %select_n3A_358 {strides = array<i32>} : memref<128xi32, #tpu.memory_space<vmem>>, vector<16xi32>,
    %reduce_sum3A_361 = arith.constant true
    %reduce_sum3A_362 = vector.broadcast %reduce_sum3A_361 : i1 to vector<16xi1>
    %reduce_sum3A_363 = tpu.scan <sum>, %select_n3A_349 masked %reduce_sum3A_362 : vector<16xi32>, vector<16xi1> -> vector<16xi32>
    %reduce_sum3A_364 = vector.extract %reduce_sum3A_363[15] : i32 from vector<16xi32>
    %add3A_365 = arith.addi %add3A_335, %reduce_sum3A_364 : i32
    %dma_start3A = arith.constant 0 : i32
    %dma_start3A_366 = tpu.memref_slice %arg6[%dma_start3A] : memref<128xi32, #tpu.memory_space<vmem>> -> memref<64xi32, #tpu.memory_space<vmem>>
    %dma_start3A_367 = arith.constant 0 : i32
    %dma_start3A_368 = arith.constant 0 : i32
    %dma_start3A_369 = tpu.memref_slice %arg3[%dma_start3A_367, %dma_start3A_368] : memref<8192x256xf32, #tpu.memory_space<hbm>> -> memref<8192x256xf32, #tpu.memory_space<hbm>>
    tpu.enqueue_indirect_dma source(%dma_start3A_369 : memref<8192x256xf32, #tpu.memory_space<hbm>>) target(%arg10 : memref<64x256xf32, #tpu.memory_space<vmem>>) offsets(%dma_start3A_366 : memref<64xi32, #tpu.memory_space<vmem>>) semaphore(%arg12 : memref<!tpu.dma_semaphore, #tpu.memory_space<semaphore_mem>>)
    %dma_start3A_370 = arith.constant 64 : i32
    %dma_start3A_371 = tpu.memref_slice %arg6[%dma_start3A_370] : memref<128xi32, #tpu.memory_space<vmem>> -> memref<64xi32, #tpu.memory_space<vmem>>
    %dma_start3A_372 = arith.constant 0 : i32
    %dma_start3A_373 = arith.constant 0 : i32
    %dma_start3A_374 = tpu.memref_slice %arg3[%dma_start3A_372, %dma_start3A_373] : memref<8192x256xf32, #tpu.memory_space<hbm>> -> memref<8192x256xf32, #tpu.memory_space<hbm>>
    tpu.enqueue_indirect_dma source(%dma_start3A_374 : memref<8192x256xf32, #tpu.memory_space<hbm>>) target(%arg11 : memref<64x256xf32, #tpu.memory_space<vmem>>) offsets(%dma_start3A_371 : memref<64xi32, #tpu.memory_space<vmem>>) semaphore(%arg13 : memref<!tpu.dma_semaphore, #tpu.memory_space<semaphore_mem>>)
    %dma_wait3A = arith.constant 0 : i32
    %dma_wait3A_375 = tpu.memref_slice %arg6[%dma_wait3A] : memref<128xi32, #tpu.memory_space<vmem>> -> memref<64xi32, #tpu.memory_space<vmem>>
    %dma_wait3A_376 = arith.constant 0 : i32
    %dma_wait3A_377 = arith.constant 0 : i32
    %dma_wait3A_378 = tpu.memref_slice %arg3[%dma_wait3A_376, %dma_wait3A_377] : memref<8192x256xf32, #tpu.memory_space<hbm>> -> memref<8192x256xf32, #tpu.memory_space<hbm>>
    tpu.wait_indirect_dma semaphore(%arg12 : memref<!tpu.dma_semaphore, #tpu.memory_space<semaphore_mem>>) src(%dma_wait3A_378 : memref<8192x256xf32, #tpu.memory_space<hbm>>) dst(%arg10 : memref<64x256xf32, #tpu.memory_space<vmem>>)
    "tpu.region"() ({
      %run_scoped3A = tpu.sem_alloc : memref<!tpu.dma_semaphore, #tpu.memory_space<semaphore_mem>>
      %dma_start3A_386 = arith.constant 0 : i32
      %dma_start3A_387 = tpu.memref_slice %arg4[%mul3A_2, %dma_start3A_386] : memref<4096x256xf32, #tpu.memory_space<hbm>> -> memref<64x256xf32, #tpu.memory_space<hbm>>
      %dma_start3A_388 = arith.constant 0 : i32
      %dma_start3A_389 = tpu.memref_slice %arg4[%mul3A_2, %dma_start3A_388] : memref<4096x256xf32, #tpu.memory_space<hbm>> -> memref<64x256xf32, #tpu.memory_space<hbm>>
      tpu.enqueue_dma source(%arg10 : memref<64x256xf32, #tpu.memory_space<vmem>>) target(%dma_start3A_389 : memref<64x256xf32, #tpu.memory_space<hbm>>) target_semaphore(%run_scoped3A : memref<!tpu.dma_semaphore, #tpu.memory_space<semaphore_mem>>)
      %dma_wait3A_390 = arith.constant 0 : i32
      %dma_wait3A_391 = tpu.memref_slice %arg4[%mul3A_2, %dma_wait3A_390] : memref<4096x256xf32, #tpu.memory_space<hbm>> -> memref<64x256xf32, #tpu.memory_space<hbm>>
      %dma_wait3A_392 = arith.constant 0 : i32
      %dma_wait3A_393 = tpu.memref_slice %arg4[%mul3A_2, %dma_wait3A_392] : memref<4096x256xf32, #tpu.memory_space<hbm>> -> memref<64x256xf32, #tpu.memory_space<hbm>>
      tpu.wait_dma2 semaphore(%run_scoped3A : memref<!tpu.dma_semaphore, #tpu.memory_space<semaphore_mem>>) src(%arg10 : memref<64x256xf32, #tpu.memory_space<vmem>>) dst(%dma_wait3A_393 : memref<64x256xf32, #tpu.memory_space<hbm>>)
      tpu.yield
    }) : () -> ()
    %dma_wait3A_379 = arith.constant 64 : i32
    %dma_wait3A_380 = tpu.memref_slice %arg6[%dma_wait3A_379] : memref<128xi32, #tpu.memory_space<vmem>> -> memref<64xi32, #tpu.memory_space<vmem>>
    %dma_wait3A_381 = arith.constant 0 : i32
    %dma_wait3A_382 = arith.constant 0 : i32
    %dma_wait3A_383 = tpu.memref_slice %arg3[%dma_wait3A_381, %dma_wait3A_382] : memref<8192x256xf32, #tpu.memory_space<hbm>> -> memref<8192x256xf32, #tpu.memory_space<hbm>>
    tpu.wait_indirect_dma semaphore(%arg13 : memref<!tpu.dma_semaphore, #tpu.memory_space<semaphore_mem>>) src(%dma_wait3A_383 : memref<8192x256xf32, #tpu.memory_space<hbm>>) dst(%arg11 : memref<64x256xf32, #tpu.memory_space<vmem>>)
    %add3A_384 = arith.constant 64 : i32
    %add3A_385 = arith.addi %mul3A_2, %add3A_384 : i32
    "tpu.region"() ({
      %run_scoped3A = tpu.sem_alloc : memref<!tpu.dma_semaphore, #tpu.memory_space<semaphore_mem>>
      %dma_start3A_386 = arith.constant 0 : i32
      %dma_start3A_387 = tpu.memref_slice %arg4[%add3A_385, %dma_start3A_386] : memref<4096x256xf32, #tpu.memory_space<hbm>> -> memref<64x256xf32, #tpu.memory_space<hbm>>
      %dma_start3A_388 = arith.constant 0 : i32
      %dma_start3A_389 = tpu.memref_slice %arg4[%add3A_385, %dma_start3A_388] : memref<4096x256xf32, #tpu.memory_space<hbm>> -> memref<64x256xf32, #tpu.memory_space<hbm>>
      tpu.enqueue_dma source(%arg11 : memref<64x256xf32, #tpu.memory_space<vmem>>) target(%dma_start3A_389 : memref<64x256xf32, #tpu.memory_space<hbm>>) target_semaphore(%run_scoped3A : memref<!tpu.dma_semaphore, #tpu.memory_space<semaphore_mem>>)
      %dma_wait3A_390 = arith.constant 0 : i32
      %dma_wait3A_391 = tpu.memref_slice %arg4[%add3A_385, %dma_wait3A_390] : memref<4096x256xf32, #tpu.memory_space<hbm>> -> memref<64x256xf32, #tpu.memory_space<hbm>>
      %dma_wait3A_392 = arith.constant 0 : i32
      %dma_wait3A_393 = tpu.memref_slice %arg4[%add3A_385, %dma_wait3A_392] : memref<4096x256xf32, #tpu.memory_space<hbm>> -> memref<64x256xf32, #tpu.memory_space<hbm>>
      tpu.wait_dma2 semaphore(%run_scoped3A : memref<!tpu.dma_semaphore, #tpu.memory_space<semaphore_mem>>) src(%arg11 : memref<64x256xf32, #tpu.memory_space<vmem>>) dst(%dma_wait3A_393 : memref<64x256xf32, #tpu.memory_space<hbm>>)
      tpu.yield
    }) : () -> ()
    return
  }
}

module attributes {stable_mosaic.version = 14 : i64} {
  func.func @_tc_match_body(%arg0: i32, %arg1: memref<4096x5xf32, #tpu.memory_space<vmem>>, %arg2: memref<2x8192xf32, #tpu.memory_space<vmem>>, %arg3: memref<4096xi32, #tpu.memory_space<vmem>>) attributes {dimension_semantics = [#tpu.dimension_semantics<arbitrary>], iteration_bounds = array<i64: 1>, scalar_prefetch = 0 : i64, scratch_operands = 0 : i64, tpu.core_type = #tpu.core_type<tc>, window_params = [{transform_indices = @transform_0, window_bounds = array<i64: 4096, 5>}, {pipeline_mode = #tpu.pipeline_mode<synchronous>, transform_indices = @transform_1, window_bounds = array<i64: 2, 8192>}, {transform_indices = @transform_2, window_bounds = array<i64: 4096>}]} {
    %get3A = arith.constant 0 : index
    %get3A_0 = arith.constant 3 : index
    %get3A_1 = vector.load %arg1[%get3A, %get3A_0] : memref<4096x5xf32, #tpu.memory_space<vmem>>, vector<4096x1xf32>
    %convert_element_type3A = arith.truncf %get3A_1 : vector<4096x1xf32> to vector<4096x1xbf16>
    %get3A_2 = arith.constant 0 : index
    %get3A_3 = arith.constant 4 : index
    %get3A_4 = vector.load %arg1[%get3A_2, %get3A_3] : memref<4096x5xf32, #tpu.memory_space<vmem>>, vector<4096x1xf32>
    %convert_element_type3A_5 = arith.truncf %get3A_4 : vector<4096x1xf32> to vector<4096x1xbf16>
    %get3A_6 = arith.constant 0 : index
    %get3A_7 = arith.constant 0 : index
    %get3A_8 = vector.load %arg2[%get3A_6, %get3A_7] : memref<2x8192xf32, #tpu.memory_space<vmem>>, vector<1x8192xf32>
    %convert_element_type3A_9 = arith.truncf %get3A_8 : vector<1x8192xf32> to vector<1x8192xbf16>
    %get3A_10 = arith.constant 1 : index
    %get3A_11 = arith.constant 0 : index
    %get3A_12 = vector.load %arg2[%get3A_10, %get3A_11] : memref<2x8192xf32, #tpu.memory_space<vmem>>, vector<1x8192xf32>
    %convert_element_type3A_13 = arith.truncf %get3A_12 : vector<1x8192xf32> to vector<1x8192xbf16>
    %abs3A = math.absf %convert_element_type3A_9 : vector<1x8192xbf16>
    %mul3A = arith.constant 1.000980e-01 : bf16
    %mul3A_14 = vector.broadcast %mul3A : bf16 to vector<1x8192xbf16>
    %mul3A_15 = arith.mulf %mul3A_14, %abs3A : vector<1x8192xbf16>
    %add3A = arith.constant 1.001170e-08 : bf16
    %add3A_16 = vector.broadcast %add3A : bf16 to vector<1x8192xbf16>
    %add3A_17 = arith.addf %add3A_16, %mul3A_15 : vector<1x8192xbf16>
    %abs3A_18 = math.absf %convert_element_type3A_13 : vector<1x8192xbf16>
    %mul3A_19 = arith.constant 1.000980e-01 : bf16
    %mul3A_20 = vector.broadcast %mul3A_19 : bf16 to vector<1x8192xbf16>
    %mul3A_21 = arith.mulf %mul3A_20, %abs3A_18 : vector<1x8192xbf16>
    %add3A_22 = arith.constant 1.001170e-08 : bf16
    %add3A_23 = vector.broadcast %add3A_22 : bf16 to vector<1x8192xbf16>
    %add3A_24 = arith.addf %add3A_23, %mul3A_21 : vector<1x8192xbf16>
    %broadcast_in_dim3A = arith.constant -1.000000e+00 : bf16
    %broadcast_in_dim3A_25 = vector.broadcast %broadcast_in_dim3A : bf16 to vector<4096x256xbf16>
    %slice3A = vector.extract_strided_slice %convert_element_type3A_9 {offsets = [0, 0], sizes = [1, 256], strides = [1, 1]} : vector<1x8192xbf16> to vector<1x256xbf16>
    %sub3A = vector.broadcast %convert_element_type3A : vector<4096x1xbf16> to vector<4096x256xbf16>
    %sub3A_26 = vector.broadcast %slice3A : vector<1x256xbf16> to vector<4096x256xbf16>
    %sub3A_27 = arith.subf %sub3A, %sub3A_26 : vector<4096x256xbf16>
    %abs3A_28 = math.absf %sub3A_27 : vector<4096x256xbf16>
    %slice3A_29 = vector.extract_strided_slice %add3A_17 {offsets = [0, 0], sizes = [1, 256], strides = [1, 1]} : vector<1x8192xbf16> to vector<1x256xbf16>
    %le3A = vector.broadcast %slice3A_29 : vector<1x256xbf16> to vector<4096x256xbf16>
    %le3A_30 = arith.cmpf ole, %abs3A_28, %le3A : vector<4096x256xbf16>
    %slice3A_31 = vector.extract_strided_slice %convert_element_type3A_13 {offsets = [0, 0], sizes = [1, 256], strides = [1, 1]} : vector<1x8192xbf16> to vector<1x256xbf16>
    %sub3A_32 = vector.broadcast %convert_element_type3A_5 : vector<4096x1xbf16> to vector<4096x256xbf16>
    %sub3A_33 = vector.broadcast %slice3A_31 : vector<1x256xbf16> to vector<4096x256xbf16>
    %sub3A_34 = arith.subf %sub3A_32, %sub3A_33 : vector<4096x256xbf16>
    %abs3A_35 = math.absf %sub3A_34 : vector<4096x256xbf16>
    %slice3A_36 = vector.extract_strided_slice %add3A_24 {offsets = [0, 0], sizes = [1, 256], strides = [1, 1]} : vector<1x8192xbf16> to vector<1x256xbf16>
    %le3A_37 = vector.broadcast %slice3A_36 : vector<1x256xbf16> to vector<4096x256xbf16>
    %le3A_38 = arith.cmpf ole, %abs3A_35, %le3A_37 : vector<4096x256xbf16>
    %and3A = arith.andi %le3A_30, %le3A_38 : vector<4096x256xi1>
    %jit3A = arith.constant 0.000000e+00 : bf16
    %broadcast_in_dim3A_39 = vector.broadcast %jit3A : bf16 to vector<4096x256xbf16>
    %select_n3A = arith.select %and3A, %broadcast_in_dim3A_39, %broadcast_in_dim3A_25 : vector<4096x256xi1>, vector<4096x256xbf16>
    %slice3A_40 = vector.extract_strided_slice %convert_element_type3A_9 {offsets = [0, 256], sizes = [1, 256], strides = [1, 1]} : vector<1x8192xbf16> to vector<1x256xbf16>
    %sub3A_41 = vector.broadcast %convert_element_type3A : vector<4096x1xbf16> to vector<4096x256xbf16>
    %sub3A_42 = vector.broadcast %slice3A_40 : vector<1x256xbf16> to vector<4096x256xbf16>
    %sub3A_43 = arith.subf %sub3A_41, %sub3A_42 : vector<4096x256xbf16>
    %abs3A_44 = math.absf %sub3A_43 : vector<4096x256xbf16>
    %slice3A_45 = vector.extract_strided_slice %add3A_17 {offsets = [0, 256], sizes = [1, 256], strides = [1, 1]} : vector<1x8192xbf16> to vector<1x256xbf16>
    %le3A_46 = vector.broadcast %slice3A_45 : vector<1x256xbf16> to vector<4096x256xbf16>
    %le3A_47 = arith.cmpf ole, %abs3A_44, %le3A_46 : vector<4096x256xbf16>
    %slice3A_48 = vector.extract_strided_slice %convert_element_type3A_13 {offsets = [0, 256], sizes = [1, 256], strides = [1, 1]} : vector<1x8192xbf16> to vector<1x256xbf16>
    %sub3A_49 = vector.broadcast %convert_element_type3A_5 : vector<4096x1xbf16> to vector<4096x256xbf16>
    %sub3A_50 = vector.broadcast %slice3A_48 : vector<1x256xbf16> to vector<4096x256xbf16>
    %sub3A_51 = arith.subf %sub3A_49, %sub3A_50 : vector<4096x256xbf16>
    %abs3A_52 = math.absf %sub3A_51 : vector<4096x256xbf16>
    %slice3A_53 = vector.extract_strided_slice %add3A_24 {offsets = [0, 256], sizes = [1, 256], strides = [1, 1]} : vector<1x8192xbf16> to vector<1x256xbf16>
    %le3A_54 = vector.broadcast %slice3A_53 : vector<1x256xbf16> to vector<4096x256xbf16>
    %le3A_55 = arith.cmpf ole, %abs3A_52, %le3A_54 : vector<4096x256xbf16>
    %and3A_56 = arith.andi %le3A_47, %le3A_55 : vector<4096x256xi1>
    %jit3A_57 = arith.constant 1.000000e+00 : bf16
    %broadcast_in_dim3A_58 = vector.broadcast %jit3A_57 : bf16 to vector<4096x256xbf16>
    %select_n3A_59 = arith.select %and3A_56, %broadcast_in_dim3A_58, %select_n3A : vector<4096x256xi1>, vector<4096x256xbf16>
    %slice3A_60 = vector.extract_strided_slice %convert_element_type3A_9 {offsets = [0, 512], sizes = [1, 256], strides = [1, 1]} : vector<1x8192xbf16> to vector<1x256xbf16>
    %sub3A_61 = vector.broadcast %convert_element_type3A : vector<4096x1xbf16> to vector<4096x256xbf16>
    %sub3A_62 = vector.broadcast %slice3A_60 : vector<1x256xbf16> to vector<4096x256xbf16>
    %sub3A_63 = arith.subf %sub3A_61, %sub3A_62 : vector<4096x256xbf16>
    %abs3A_64 = math.absf %sub3A_63 : vector<4096x256xbf16>
    %slice3A_65 = vector.extract_strided_slice %add3A_17 {offsets = [0, 512], sizes = [1, 256], strides = [1, 1]} : vector<1x8192xbf16> to vector<1x256xbf16>
    %le3A_66 = vector.broadcast %slice3A_65 : vector<1x256xbf16> to vector<4096x256xbf16>
    %le3A_67 = arith.cmpf ole, %abs3A_64, %le3A_66 : vector<4096x256xbf16>
    %slice3A_68 = vector.extract_strided_slice %convert_element_type3A_13 {offsets = [0, 512], sizes = [1, 256], strides = [1, 1]} : vector<1x8192xbf16> to vector<1x256xbf16>
    %sub3A_69 = vector.broadcast %convert_element_type3A_5 : vector<4096x1xbf16> to vector<4096x256xbf16>
    %sub3A_70 = vector.broadcast %slice3A_68 : vector<1x256xbf16> to vector<4096x256xbf16>
    %sub3A_71 = arith.subf %sub3A_69, %sub3A_70 : vector<4096x256xbf16>
    %abs3A_72 = math.absf %sub3A_71 : vector<4096x256xbf16>
    %slice3A_73 = vector.extract_strided_slice %add3A_24 {offsets = [0, 512], sizes = [1, 256], strides = [1, 1]} : vector<1x8192xbf16> to vector<1x256xbf16>
    %le3A_74 = vector.broadcast %slice3A_73 : vector<1x256xbf16> to vector<4096x256xbf16>
    %le3A_75 = arith.cmpf ole, %abs3A_72, %le3A_74 : vector<4096x256xbf16>
    %and3A_76 = arith.andi %le3A_67, %le3A_75 : vector<4096x256xi1>
    %jit3A_77 = arith.constant 2.000000e+00 : bf16
    %broadcast_in_dim3A_78 = vector.broadcast %jit3A_77 : bf16 to vector<4096x256xbf16>
    %select_n3A_79 = arith.select %and3A_76, %broadcast_in_dim3A_78, %select_n3A_59 : vector<4096x256xi1>, vector<4096x256xbf16>
    %slice3A_80 = vector.extract_strided_slice %convert_element_type3A_9 {offsets = [0, 768], sizes = [1, 256], strides = [1, 1]} : vector<1x8192xbf16> to vector<1x256xbf16>
    %sub3A_81 = vector.broadcast %convert_element_type3A : vector<4096x1xbf16> to vector<4096x256xbf16>
    %sub3A_82 = vector.broadcast %slice3A_80 : vector<1x256xbf16> to vector<4096x256xbf16>
    %sub3A_83 = arith.subf %sub3A_81, %sub3A_82 : vector<4096x256xbf16>
    %abs3A_84 = math.absf %sub3A_83 : vector<4096x256xbf16>
    %slice3A_85 = vector.extract_strided_slice %add3A_17 {offsets = [0, 768], sizes = [1, 256], strides = [1, 1]} : vector<1x8192xbf16> to vector<1x256xbf16>
    %le3A_86 = vector.broadcast %slice3A_85 : vector<1x256xbf16> to vector<4096x256xbf16>
    %le3A_87 = arith.cmpf ole, %abs3A_84, %le3A_86 : vector<4096x256xbf16>
    %slice3A_88 = vector.extract_strided_slice %convert_element_type3A_13 {offsets = [0, 768], sizes = [1, 256], strides = [1, 1]} : vector<1x8192xbf16> to vector<1x256xbf16>
    %sub3A_89 = vector.broadcast %convert_element_type3A_5 : vector<4096x1xbf16> to vector<4096x256xbf16>
    %sub3A_90 = vector.broadcast %slice3A_88 : vector<1x256xbf16> to vector<4096x256xbf16>
    %sub3A_91 = arith.subf %sub3A_89, %sub3A_90 : vector<4096x256xbf16>
    %abs3A_92 = math.absf %sub3A_91 : vector<4096x256xbf16>
    %slice3A_93 = vector.extract_strided_slice %add3A_24 {offsets = [0, 768], sizes = [1, 256], strides = [1, 1]} : vector<1x8192xbf16> to vector<1x256xbf16>
    %le3A_94 = vector.broadcast %slice3A_93 : vector<1x256xbf16> to vector<4096x256xbf16>
    %le3A_95 = arith.cmpf ole, %abs3A_92, %le3A_94 : vector<4096x256xbf16>
    %and3A_96 = arith.andi %le3A_87, %le3A_95 : vector<4096x256xi1>
    %jit3A_97 = arith.constant 3.000000e+00 : bf16
    %broadcast_in_dim3A_98 = vector.broadcast %jit3A_97 : bf16 to vector<4096x256xbf16>
    %select_n3A_99 = arith.select %and3A_96, %broadcast_in_dim3A_98, %select_n3A_79 : vector<4096x256xi1>, vector<4096x256xbf16>
    %slice3A_100 = vector.extract_strided_slice %convert_element_type3A_9 {offsets = [0, 1024], sizes = [1, 256], strides = [1, 1]} : vector<1x8192xbf16> to vector<1x256xbf16>
    %sub3A_101 = vector.broadcast %convert_element_type3A : vector<4096x1xbf16> to vector<4096x256xbf16>
    %sub3A_102 = vector.broadcast %slice3A_100 : vector<1x256xbf16> to vector<4096x256xbf16>
    %sub3A_103 = arith.subf %sub3A_101, %sub3A_102 : vector<4096x256xbf16>
    %abs3A_104 = math.absf %sub3A_103 : vector<4096x256xbf16>
    %slice3A_105 = vector.extract_strided_slice %add3A_17 {offsets = [0, 1024], sizes = [1, 256], strides = [1, 1]} : vector<1x8192xbf16> to vector<1x256xbf16>
    %le3A_106 = vector.broadcast %slice3A_105 : vector<1x256xbf16> to vector<4096x256xbf16>
    %le3A_107 = arith.cmpf ole, %abs3A_104, %le3A_106 : vector<4096x256xbf16>
    %slice3A_108 = vector.extract_strided_slice %convert_element_type3A_13 {offsets = [0, 1024], sizes = [1, 256], strides = [1, 1]} : vector<1x8192xbf16> to vector<1x256xbf16>
    %sub3A_109 = vector.broadcast %convert_element_type3A_5 : vector<4096x1xbf16> to vector<4096x256xbf16>
    %sub3A_110 = vector.broadcast %slice3A_108 : vector<1x256xbf16> to vector<4096x256xbf16>
    %sub3A_111 = arith.subf %sub3A_109, %sub3A_110 : vector<4096x256xbf16>
    %abs3A_112 = math.absf %sub3A_111 : vector<4096x256xbf16>
    %slice3A_113 = vector.extract_strided_slice %add3A_24 {offsets = [0, 1024], sizes = [1, 256], strides = [1, 1]} : vector<1x8192xbf16> to vector<1x256xbf16>
    %le3A_114 = vector.broadcast %slice3A_113 : vector<1x256xbf16> to vector<4096x256xbf16>
    %le3A_115 = arith.cmpf ole, %abs3A_112, %le3A_114 : vector<4096x256xbf16>
    %and3A_116 = arith.andi %le3A_107, %le3A_115 : vector<4096x256xi1>
    %jit3A_117 = arith.constant 4.000000e+00 : bf16
    %broadcast_in_dim3A_118 = vector.broadcast %jit3A_117 : bf16 to vector<4096x256xbf16>
    %select_n3A_119 = arith.select %and3A_116, %broadcast_in_dim3A_118, %select_n3A_99 : vector<4096x256xi1>, vector<4096x256xbf16>
    %slice3A_120 = vector.extract_strided_slice %convert_element_type3A_9 {offsets = [0, 1280], sizes = [1, 256], strides = [1, 1]} : vector<1x8192xbf16> to vector<1x256xbf16>
    %sub3A_121 = vector.broadcast %convert_element_type3A : vector<4096x1xbf16> to vector<4096x256xbf16>
    %sub3A_122 = vector.broadcast %slice3A_120 : vector<1x256xbf16> to vector<4096x256xbf16>
    %sub3A_123 = arith.subf %sub3A_121, %sub3A_122 : vector<4096x256xbf16>
    %abs3A_124 = math.absf %sub3A_123 : vector<4096x256xbf16>
    %slice3A_125 = vector.extract_strided_slice %add3A_17 {offsets = [0, 1280], sizes = [1, 256], strides = [1, 1]} : vector<1x8192xbf16> to vector<1x256xbf16>
    %le3A_126 = vector.broadcast %slice3A_125 : vector<1x256xbf16> to vector<4096x256xbf16>
    %le3A_127 = arith.cmpf ole, %abs3A_124, %le3A_126 : vector<4096x256xbf16>
    %slice3A_128 = vector.extract_strided_slice %convert_element_type3A_13 {offsets = [0, 1280], sizes = [1, 256], strides = [1, 1]} : vector<1x8192xbf16> to vector<1x256xbf16>
    %sub3A_129 = vector.broadcast %convert_element_type3A_5 : vector<4096x1xbf16> to vector<4096x256xbf16>
    %sub3A_130 = vector.broadcast %slice3A_128 : vector<1x256xbf16> to vector<4096x256xbf16>
    %sub3A_131 = arith.subf %sub3A_129, %sub3A_130 : vector<4096x256xbf16>
    %abs3A_132 = math.absf %sub3A_131 : vector<4096x256xbf16>
    %slice3A_133 = vector.extract_strided_slice %add3A_24 {offsets = [0, 1280], sizes = [1, 256], strides = [1, 1]} : vector<1x8192xbf16> to vector<1x256xbf16>
    %le3A_134 = vector.broadcast %slice3A_133 : vector<1x256xbf16> to vector<4096x256xbf16>
    %le3A_135 = arith.cmpf ole, %abs3A_132, %le3A_134 : vector<4096x256xbf16>
    %and3A_136 = arith.andi %le3A_127, %le3A_135 : vector<4096x256xi1>
    %jit3A_137 = arith.constant 5.000000e+00 : bf16
    %broadcast_in_dim3A_138 = vector.broadcast %jit3A_137 : bf16 to vector<4096x256xbf16>
    %select_n3A_139 = arith.select %and3A_136, %broadcast_in_dim3A_138, %select_n3A_119 : vector<4096x256xi1>, vector<4096x256xbf16>
    %slice3A_140 = vector.extract_strided_slice %convert_element_type3A_9 {offsets = [0, 1536], sizes = [1, 256], strides = [1, 1]} : vector<1x8192xbf16> to vector<1x256xbf16>
    %sub3A_141 = vector.broadcast %convert_element_type3A : vector<4096x1xbf16> to vector<4096x256xbf16>
    %sub3A_142 = vector.broadcast %slice3A_140 : vector<1x256xbf16> to vector<4096x256xbf16>
    %sub3A_143 = arith.subf %sub3A_141, %sub3A_142 : vector<4096x256xbf16>
    %abs3A_144 = math.absf %sub3A_143 : vector<4096x256xbf16>
    %slice3A_145 = vector.extract_strided_slice %add3A_17 {offsets = [0, 1536], sizes = [1, 256], strides = [1, 1]} : vector<1x8192xbf16> to vector<1x256xbf16>
    %le3A_146 = vector.broadcast %slice3A_145 : vector<1x256xbf16> to vector<4096x256xbf16>
    %le3A_147 = arith.cmpf ole, %abs3A_144, %le3A_146 : vector<4096x256xbf16>
    %slice3A_148 = vector.extract_strided_slice %convert_element_type3A_13 {offsets = [0, 1536], sizes = [1, 256], strides = [1, 1]} : vector<1x8192xbf16> to vector<1x256xbf16>
    %sub3A_149 = vector.broadcast %convert_element_type3A_5 : vector<4096x1xbf16> to vector<4096x256xbf16>
    %sub3A_150 = vector.broadcast %slice3A_148 : vector<1x256xbf16> to vector<4096x256xbf16>
    %sub3A_151 = arith.subf %sub3A_149, %sub3A_150 : vector<4096x256xbf16>
    %abs3A_152 = math.absf %sub3A_151 : vector<4096x256xbf16>
    %slice3A_153 = vector.extract_strided_slice %add3A_24 {offsets = [0, 1536], sizes = [1, 256], strides = [1, 1]} : vector<1x8192xbf16> to vector<1x256xbf16>
    %le3A_154 = vector.broadcast %slice3A_153 : vector<1x256xbf16> to vector<4096x256xbf16>
    %le3A_155 = arith.cmpf ole, %abs3A_152, %le3A_154 : vector<4096x256xbf16>
    %and3A_156 = arith.andi %le3A_147, %le3A_155 : vector<4096x256xi1>
    %jit3A_157 = arith.constant 6.000000e+00 : bf16
    %broadcast_in_dim3A_158 = vector.broadcast %jit3A_157 : bf16 to vector<4096x256xbf16>
    %select_n3A_159 = arith.select %and3A_156, %broadcast_in_dim3A_158, %select_n3A_139 : vector<4096x256xi1>, vector<4096x256xbf16>
    %slice3A_160 = vector.extract_strided_slice %convert_element_type3A_9 {offsets = [0, 1792], sizes = [1, 256], strides = [1, 1]} : vector<1x8192xbf16> to vector<1x256xbf16>
    %sub3A_161 = vector.broadcast %convert_element_type3A : vector<4096x1xbf16> to vector<4096x256xbf16>
    %sub3A_162 = vector.broadcast %slice3A_160 : vector<1x256xbf16> to vector<4096x256xbf16>
    %sub3A_163 = arith.subf %sub3A_161, %sub3A_162 : vector<4096x256xbf16>
    %abs3A_164 = math.absf %sub3A_163 : vector<4096x256xbf16>
    %slice3A_165 = vector.extract_strided_slice %add3A_17 {offsets = [0, 1792], sizes = [1, 256], strides = [1, 1]} : vector<1x8192xbf16> to vector<1x256xbf16>
    %le3A_166 = vector.broadcast %slice3A_165 : vector<1x256xbf16> to vector<4096x256xbf16>
    %le3A_167 = arith.cmpf ole, %abs3A_164, %le3A_166 : vector<4096x256xbf16>
    %slice3A_168 = vector.extract_strided_slice %convert_element_type3A_13 {offsets = [0, 1792], sizes = [1, 256], strides = [1, 1]} : vector<1x8192xbf16> to vector<1x256xbf16>
    %sub3A_169 = vector.broadcast %convert_element_type3A_5 : vector<4096x1xbf16> to vector<4096x256xbf16>
    %sub3A_170 = vector.broadcast %slice3A_168 : vector<1x256xbf16> to vector<4096x256xbf16>
    %sub3A_171 = arith.subf %sub3A_169, %sub3A_170 : vector<4096x256xbf16>
    %abs3A_172 = math.absf %sub3A_171 : vector<4096x256xbf16>
    %slice3A_173 = vector.extract_strided_slice %add3A_24 {offsets = [0, 1792], sizes = [1, 256], strides = [1, 1]} : vector<1x8192xbf16> to vector<1x256xbf16>
    %le3A_174 = vector.broadcast %slice3A_173 : vector<1x256xbf16> to vector<4096x256xbf16>
    %le3A_175 = arith.cmpf ole, %abs3A_172, %le3A_174 : vector<4096x256xbf16>
    %and3A_176 = arith.andi %le3A_167, %le3A_175 : vector<4096x256xi1>
    %jit3A_177 = arith.constant 7.000000e+00 : bf16
    %broadcast_in_dim3A_178 = vector.broadcast %jit3A_177 : bf16 to vector<4096x256xbf16>
    %select_n3A_179 = arith.select %and3A_176, %broadcast_in_dim3A_178, %select_n3A_159 : vector<4096x256xi1>, vector<4096x256xbf16>
    %slice3A_180 = vector.extract_strided_slice %convert_element_type3A_9 {offsets = [0, 2048], sizes = [1, 256], strides = [1, 1]} : vector<1x8192xbf16> to vector<1x256xbf16>
    %sub3A_181 = vector.broadcast %convert_element_type3A : vector<4096x1xbf16> to vector<4096x256xbf16>
    %sub3A_182 = vector.broadcast %slice3A_180 : vector<1x256xbf16> to vector<4096x256xbf16>
    %sub3A_183 = arith.subf %sub3A_181, %sub3A_182 : vector<4096x256xbf16>
    %abs3A_184 = math.absf %sub3A_183 : vector<4096x256xbf16>
    %slice3A_185 = vector.extract_strided_slice %add3A_17 {offsets = [0, 2048], sizes = [1, 256], strides = [1, 1]} : vector<1x8192xbf16> to vector<1x256xbf16>
    %le3A_186 = vector.broadcast %slice3A_185 : vector<1x256xbf16> to vector<4096x256xbf16>
    %le3A_187 = arith.cmpf ole, %abs3A_184, %le3A_186 : vector<4096x256xbf16>
    %slice3A_188 = vector.extract_strided_slice %convert_element_type3A_13 {offsets = [0, 2048], sizes = [1, 256], strides = [1, 1]} : vector<1x8192xbf16> to vector<1x256xbf16>
    %sub3A_189 = vector.broadcast %convert_element_type3A_5 : vector<4096x1xbf16> to vector<4096x256xbf16>
    %sub3A_190 = vector.broadcast %slice3A_188 : vector<1x256xbf16> to vector<4096x256xbf16>
    %sub3A_191 = arith.subf %sub3A_189, %sub3A_190 : vector<4096x256xbf16>
    %abs3A_192 = math.absf %sub3A_191 : vector<4096x256xbf16>
    %slice3A_193 = vector.extract_strided_slice %add3A_24 {offsets = [0, 2048], sizes = [1, 256], strides = [1, 1]} : vector<1x8192xbf16> to vector<1x256xbf16>
    %le3A_194 = vector.broadcast %slice3A_193 : vector<1x256xbf16> to vector<4096x256xbf16>
    %le3A_195 = arith.cmpf ole, %abs3A_192, %le3A_194 : vector<4096x256xbf16>
    %and3A_196 = arith.andi %le3A_187, %le3A_195 : vector<4096x256xi1>
    %jit3A_197 = arith.constant 8.000000e+00 : bf16
    %broadcast_in_dim3A_198 = vector.broadcast %jit3A_197 : bf16 to vector<4096x256xbf16>
    %select_n3A_199 = arith.select %and3A_196, %broadcast_in_dim3A_198, %select_n3A_179 : vector<4096x256xi1>, vector<4096x256xbf16>
    %slice3A_200 = vector.extract_strided_slice %convert_element_type3A_9 {offsets = [0, 2304], sizes = [1, 256], strides = [1, 1]} : vector<1x8192xbf16> to vector<1x256xbf16>
    %sub3A_201 = vector.broadcast %convert_element_type3A : vector<4096x1xbf16> to vector<4096x256xbf16>
    %sub3A_202 = vector.broadcast %slice3A_200 : vector<1x256xbf16> to vector<4096x256xbf16>
    %sub3A_203 = arith.subf %sub3A_201, %sub3A_202 : vector<4096x256xbf16>
    %abs3A_204 = math.absf %sub3A_203 : vector<4096x256xbf16>
    %slice3A_205 = vector.extract_strided_slice %add3A_17 {offsets = [0, 2304], sizes = [1, 256], strides = [1, 1]} : vector<1x8192xbf16> to vector<1x256xbf16>
    %le3A_206 = vector.broadcast %slice3A_205 : vector<1x256xbf16> to vector<4096x256xbf16>
    %le3A_207 = arith.cmpf ole, %abs3A_204, %le3A_206 : vector<4096x256xbf16>
    %slice3A_208 = vector.extract_strided_slice %convert_element_type3A_13 {offsets = [0, 2304], sizes = [1, 256], strides = [1, 1]} : vector<1x8192xbf16> to vector<1x256xbf16>
    %sub3A_209 = vector.broadcast %convert_element_type3A_5 : vector<4096x1xbf16> to vector<4096x256xbf16>
    %sub3A_210 = vector.broadcast %slice3A_208 : vector<1x256xbf16> to vector<4096x256xbf16>
    %sub3A_211 = arith.subf %sub3A_209, %sub3A_210 : vector<4096x256xbf16>
    %abs3A_212 = math.absf %sub3A_211 : vector<4096x256xbf16>
    %slice3A_213 = vector.extract_strided_slice %add3A_24 {offsets = [0, 2304], sizes = [1, 256], strides = [1, 1]} : vector<1x8192xbf16> to vector<1x256xbf16>
    %le3A_214 = vector.broadcast %slice3A_213 : vector<1x256xbf16> to vector<4096x256xbf16>
    %le3A_215 = arith.cmpf ole, %abs3A_212, %le3A_214 : vector<4096x256xbf16>
    %and3A_216 = arith.andi %le3A_207, %le3A_215 : vector<4096x256xi1>
    %jit3A_217 = arith.constant 9.000000e+00 : bf16
    %broadcast_in_dim3A_218 = vector.broadcast %jit3A_217 : bf16 to vector<4096x256xbf16>
    %select_n3A_219 = arith.select %and3A_216, %broadcast_in_dim3A_218, %select_n3A_199 : vector<4096x256xi1>, vector<4096x256xbf16>
    %slice3A_220 = vector.extract_strided_slice %convert_element_type3A_9 {offsets = [0, 2560], sizes = [1, 256], strides = [1, 1]} : vector<1x8192xbf16> to vector<1x256xbf16>
    %sub3A_221 = vector.broadcast %convert_element_type3A : vector<4096x1xbf16> to vector<4096x256xbf16>
    %sub3A_222 = vector.broadcast %slice3A_220 : vector<1x256xbf16> to vector<4096x256xbf16>
    %sub3A_223 = arith.subf %sub3A_221, %sub3A_222 : vector<4096x256xbf16>
    %abs3A_224 = math.absf %sub3A_223 : vector<4096x256xbf16>
    %slice3A_225 = vector.extract_strided_slice %add3A_17 {offsets = [0, 2560], sizes = [1, 256], strides = [1, 1]} : vector<1x8192xbf16> to vector<1x256xbf16>
    %le3A_226 = vector.broadcast %slice3A_225 : vector<1x256xbf16> to vector<4096x256xbf16>
    %le3A_227 = arith.cmpf ole, %abs3A_224, %le3A_226 : vector<4096x256xbf16>
    %slice3A_228 = vector.extract_strided_slice %convert_element_type3A_13 {offsets = [0, 2560], sizes = [1, 256], strides = [1, 1]} : vector<1x8192xbf16> to vector<1x256xbf16>
    %sub3A_229 = vector.broadcast %convert_element_type3A_5 : vector<4096x1xbf16> to vector<4096x256xbf16>
    %sub3A_230 = vector.broadcast %slice3A_228 : vector<1x256xbf16> to vector<4096x256xbf16>
    %sub3A_231 = arith.subf %sub3A_229, %sub3A_230 : vector<4096x256xbf16>
    %abs3A_232 = math.absf %sub3A_231 : vector<4096x256xbf16>
    %slice3A_233 = vector.extract_strided_slice %add3A_24 {offsets = [0, 2560], sizes = [1, 256], strides = [1, 1]} : vector<1x8192xbf16> to vector<1x256xbf16>
    %le3A_234 = vector.broadcast %slice3A_233 : vector<1x256xbf16> to vector<4096x256xbf16>
    %le3A_235 = arith.cmpf ole, %abs3A_232, %le3A_234 : vector<4096x256xbf16>
    %and3A_236 = arith.andi %le3A_227, %le3A_235 : vector<4096x256xi1>
    %jit3A_237 = arith.constant 1.000000e+01 : bf16
    %broadcast_in_dim3A_238 = vector.broadcast %jit3A_237 : bf16 to vector<4096x256xbf16>
    %select_n3A_239 = arith.select %and3A_236, %broadcast_in_dim3A_238, %select_n3A_219 : vector<4096x256xi1>, vector<4096x256xbf16>
    %slice3A_240 = vector.extract_strided_slice %convert_element_type3A_9 {offsets = [0, 2816], sizes = [1, 256], strides = [1, 1]} : vector<1x8192xbf16> to vector<1x256xbf16>
    %sub3A_241 = vector.broadcast %convert_element_type3A : vector<4096x1xbf16> to vector<4096x256xbf16>
    %sub3A_242 = vector.broadcast %slice3A_240 : vector<1x256xbf16> to vector<4096x256xbf16>
    %sub3A_243 = arith.subf %sub3A_241, %sub3A_242 : vector<4096x256xbf16>
    %abs3A_244 = math.absf %sub3A_243 : vector<4096x256xbf16>
    %slice3A_245 = vector.extract_strided_slice %add3A_17 {offsets = [0, 2816], sizes = [1, 256], strides = [1, 1]} : vector<1x8192xbf16> to vector<1x256xbf16>
    %le3A_246 = vector.broadcast %slice3A_245 : vector<1x256xbf16> to vector<4096x256xbf16>
    %le3A_247 = arith.cmpf ole, %abs3A_244, %le3A_246 : vector<4096x256xbf16>
    %slice3A_248 = vector.extract_strided_slice %convert_element_type3A_13 {offsets = [0, 2816], sizes = [1, 256], strides = [1, 1]} : vector<1x8192xbf16> to vector<1x256xbf16>
    %sub3A_249 = vector.broadcast %convert_element_type3A_5 : vector<4096x1xbf16> to vector<4096x256xbf16>
    %sub3A_250 = vector.broadcast %slice3A_248 : vector<1x256xbf16> to vector<4096x256xbf16>
    %sub3A_251 = arith.subf %sub3A_249, %sub3A_250 : vector<4096x256xbf16>
    %abs3A_252 = math.absf %sub3A_251 : vector<4096x256xbf16>
    %slice3A_253 = vector.extract_strided_slice %add3A_24 {offsets = [0, 2816], sizes = [1, 256], strides = [1, 1]} : vector<1x8192xbf16> to vector<1x256xbf16>
    %le3A_254 = vector.broadcast %slice3A_253 : vector<1x256xbf16> to vector<4096x256xbf16>
    %le3A_255 = arith.cmpf ole, %abs3A_252, %le3A_254 : vector<4096x256xbf16>
    %and3A_256 = arith.andi %le3A_247, %le3A_255 : vector<4096x256xi1>
    %jit3A_257 = arith.constant 1.100000e+01 : bf16
    %broadcast_in_dim3A_258 = vector.broadcast %jit3A_257 : bf16 to vector<4096x256xbf16>
    %select_n3A_259 = arith.select %and3A_256, %broadcast_in_dim3A_258, %select_n3A_239 : vector<4096x256xi1>, vector<4096x256xbf16>
    %slice3A_260 = vector.extract_strided_slice %convert_element_type3A_9 {offsets = [0, 3072], sizes = [1, 256], strides = [1, 1]} : vector<1x8192xbf16> to vector<1x256xbf16>
    %sub3A_261 = vector.broadcast %convert_element_type3A : vector<4096x1xbf16> to vector<4096x256xbf16>
    %sub3A_262 = vector.broadcast %slice3A_260 : vector<1x256xbf16> to vector<4096x256xbf16>
    %sub3A_263 = arith.subf %sub3A_261, %sub3A_262 : vector<4096x256xbf16>
    %abs3A_264 = math.absf %sub3A_263 : vector<4096x256xbf16>
    %slice3A_265 = vector.extract_strided_slice %add3A_17 {offsets = [0, 3072], sizes = [1, 256], strides = [1, 1]} : vector<1x8192xbf16> to vector<1x256xbf16>
    %le3A_266 = vector.broadcast %slice3A_265 : vector<1x256xbf16> to vector<4096x256xbf16>
    %le3A_267 = arith.cmpf ole, %abs3A_264, %le3A_266 : vector<4096x256xbf16>
    %slice3A_268 = vector.extract_strided_slice %convert_element_type3A_13 {offsets = [0, 3072], sizes = [1, 256], strides = [1, 1]} : vector<1x8192xbf16> to vector<1x256xbf16>
    %sub3A_269 = vector.broadcast %convert_element_type3A_5 : vector<4096x1xbf16> to vector<4096x256xbf16>
    %sub3A_270 = vector.broadcast %slice3A_268 : vector<1x256xbf16> to vector<4096x256xbf16>
    %sub3A_271 = arith.subf %sub3A_269, %sub3A_270 : vector<4096x256xbf16>
    %abs3A_272 = math.absf %sub3A_271 : vector<4096x256xbf16>
    %slice3A_273 = vector.extract_strided_slice %add3A_24 {offsets = [0, 3072], sizes = [1, 256], strides = [1, 1]} : vector<1x8192xbf16> to vector<1x256xbf16>
    %le3A_274 = vector.broadcast %slice3A_273 : vector<1x256xbf16> to vector<4096x256xbf16>
    %le3A_275 = arith.cmpf ole, %abs3A_272, %le3A_274 : vector<4096x256xbf16>
    %and3A_276 = arith.andi %le3A_267, %le3A_275 : vector<4096x256xi1>
    %jit3A_277 = arith.constant 1.200000e+01 : bf16
    %broadcast_in_dim3A_278 = vector.broadcast %jit3A_277 : bf16 to vector<4096x256xbf16>
    %select_n3A_279 = arith.select %and3A_276, %broadcast_in_dim3A_278, %select_n3A_259 : vector<4096x256xi1>, vector<4096x256xbf16>
    %slice3A_280 = vector.extract_strided_slice %convert_element_type3A_9 {offsets = [0, 3328], sizes = [1, 256], strides = [1, 1]} : vector<1x8192xbf16> to vector<1x256xbf16>
    %sub3A_281 = vector.broadcast %convert_element_type3A : vector<4096x1xbf16> to vector<4096x256xbf16>
    %sub3A_282 = vector.broadcast %slice3A_280 : vector<1x256xbf16> to vector<4096x256xbf16>
    %sub3A_283 = arith.subf %sub3A_281, %sub3A_282 : vector<4096x256xbf16>
    %abs3A_284 = math.absf %sub3A_283 : vector<4096x256xbf16>
    %slice3A_285 = vector.extract_strided_slice %add3A_17 {offsets = [0, 3328], sizes = [1, 256], strides = [1, 1]} : vector<1x8192xbf16> to vector<1x256xbf16>
    %le3A_286 = vector.broadcast %slice3A_285 : vector<1x256xbf16> to vector<4096x256xbf16>
    %le3A_287 = arith.cmpf ole, %abs3A_284, %le3A_286 : vector<4096x256xbf16>
    %slice3A_288 = vector.extract_strided_slice %convert_element_type3A_13 {offsets = [0, 3328], sizes = [1, 256], strides = [1, 1]} : vector<1x8192xbf16> to vector<1x256xbf16>
    %sub3A_289 = vector.broadcast %convert_element_type3A_5 : vector<4096x1xbf16> to vector<4096x256xbf16>
    %sub3A_290 = vector.broadcast %slice3A_288 : vector<1x256xbf16> to vector<4096x256xbf16>
    %sub3A_291 = arith.subf %sub3A_289, %sub3A_290 : vector<4096x256xbf16>
    %abs3A_292 = math.absf %sub3A_291 : vector<4096x256xbf16>
    %slice3A_293 = vector.extract_strided_slice %add3A_24 {offsets = [0, 3328], sizes = [1, 256], strides = [1, 1]} : vector<1x8192xbf16> to vector<1x256xbf16>
    %le3A_294 = vector.broadcast %slice3A_293 : vector<1x256xbf16> to vector<4096x256xbf16>
    %le3A_295 = arith.cmpf ole, %abs3A_292, %le3A_294 : vector<4096x256xbf16>
    %and3A_296 = arith.andi %le3A_287, %le3A_295 : vector<4096x256xi1>
    %jit3A_297 = arith.constant 1.300000e+01 : bf16
    %broadcast_in_dim3A_298 = vector.broadcast %jit3A_297 : bf16 to vector<4096x256xbf16>
    %select_n3A_299 = arith.select %and3A_296, %broadcast_in_dim3A_298, %select_n3A_279 : vector<4096x256xi1>, vector<4096x256xbf16>
    %slice3A_300 = vector.extract_strided_slice %convert_element_type3A_9 {offsets = [0, 3584], sizes = [1, 256], strides = [1, 1]} : vector<1x8192xbf16> to vector<1x256xbf16>
    %sub3A_301 = vector.broadcast %convert_element_type3A : vector<4096x1xbf16> to vector<4096x256xbf16>
    %sub3A_302 = vector.broadcast %slice3A_300 : vector<1x256xbf16> to vector<4096x256xbf16>
    %sub3A_303 = arith.subf %sub3A_301, %sub3A_302 : vector<4096x256xbf16>
    %abs3A_304 = math.absf %sub3A_303 : vector<4096x256xbf16>
    %slice3A_305 = vector.extract_strided_slice %add3A_17 {offsets = [0, 3584], sizes = [1, 256], strides = [1, 1]} : vector<1x8192xbf16> to vector<1x256xbf16>
    %le3A_306 = vector.broadcast %slice3A_305 : vector<1x256xbf16> to vector<4096x256xbf16>
    %le3A_307 = arith.cmpf ole, %abs3A_304, %le3A_306 : vector<4096x256xbf16>
    %slice3A_308 = vector.extract_strided_slice %convert_element_type3A_13 {offsets = [0, 3584], sizes = [1, 256], strides = [1, 1]} : vector<1x8192xbf16> to vector<1x256xbf16>
    %sub3A_309 = vector.broadcast %convert_element_type3A_5 : vector<4096x1xbf16> to vector<4096x256xbf16>
    %sub3A_310 = vector.broadcast %slice3A_308 : vector<1x256xbf16> to vector<4096x256xbf16>
    %sub3A_311 = arith.subf %sub3A_309, %sub3A_310 : vector<4096x256xbf16>
    %abs3A_312 = math.absf %sub3A_311 : vector<4096x256xbf16>
    %slice3A_313 = vector.extract_strided_slice %add3A_24 {offsets = [0, 3584], sizes = [1, 256], strides = [1, 1]} : vector<1x8192xbf16> to vector<1x256xbf16>
    %le3A_314 = vector.broadcast %slice3A_313 : vector<1x256xbf16> to vector<4096x256xbf16>
    %le3A_315 = arith.cmpf ole, %abs3A_312, %le3A_314 : vector<4096x256xbf16>
    %and3A_316 = arith.andi %le3A_307, %le3A_315 : vector<4096x256xi1>
    %jit3A_317 = arith.constant 1.400000e+01 : bf16
    %broadcast_in_dim3A_318 = vector.broadcast %jit3A_317 : bf16 to vector<4096x256xbf16>
    %select_n3A_319 = arith.select %and3A_316, %broadcast_in_dim3A_318, %select_n3A_299 : vector<4096x256xi1>, vector<4096x256xbf16>
    %slice3A_320 = vector.extract_strided_slice %convert_element_type3A_9 {offsets = [0, 3840], sizes = [1, 256], strides = [1, 1]} : vector<1x8192xbf16> to vector<1x256xbf16>
    %sub3A_321 = vector.broadcast %convert_element_type3A : vector<4096x1xbf16> to vector<4096x256xbf16>
    %sub3A_322 = vector.broadcast %slice3A_320 : vector<1x256xbf16> to vector<4096x256xbf16>
    %sub3A_323 = arith.subf %sub3A_321, %sub3A_322 : vector<4096x256xbf16>
    %abs3A_324 = math.absf %sub3A_323 : vector<4096x256xbf16>
    %slice3A_325 = vector.extract_strided_slice %add3A_17 {offsets = [0, 3840], sizes = [1, 256], strides = [1, 1]} : vector<1x8192xbf16> to vector<1x256xbf16>
    %le3A_326 = vector.broadcast %slice3A_325 : vector<1x256xbf16> to vector<4096x256xbf16>
    %le3A_327 = arith.cmpf ole, %abs3A_324, %le3A_326 : vector<4096x256xbf16>
    %slice3A_328 = vector.extract_strided_slice %convert_element_type3A_13 {offsets = [0, 3840], sizes = [1, 256], strides = [1, 1]} : vector<1x8192xbf16> to vector<1x256xbf16>
    %sub3A_329 = vector.broadcast %convert_element_type3A_5 : vector<4096x1xbf16> to vector<4096x256xbf16>
    %sub3A_330 = vector.broadcast %slice3A_328 : vector<1x256xbf16> to vector<4096x256xbf16>
    %sub3A_331 = arith.subf %sub3A_329, %sub3A_330 : vector<4096x256xbf16>
    %abs3A_332 = math.absf %sub3A_331 : vector<4096x256xbf16>
    %slice3A_333 = vector.extract_strided_slice %add3A_24 {offsets = [0, 3840], sizes = [1, 256], strides = [1, 1]} : vector<1x8192xbf16> to vector<1x256xbf16>
    %le3A_334 = vector.broadcast %slice3A_333 : vector<1x256xbf16> to vector<4096x256xbf16>
    %le3A_335 = arith.cmpf ole, %abs3A_332, %le3A_334 : vector<4096x256xbf16>
    %and3A_336 = arith.andi %le3A_327, %le3A_335 : vector<4096x256xi1>
    %jit3A_337 = arith.constant 1.500000e+01 : bf16
    %broadcast_in_dim3A_338 = vector.broadcast %jit3A_337 : bf16 to vector<4096x256xbf16>
    %select_n3A_339 = arith.select %and3A_336, %broadcast_in_dim3A_338, %select_n3A_319 : vector<4096x256xi1>, vector<4096x256xbf16>
    %slice3A_340 = vector.extract_strided_slice %convert_element_type3A_9 {offsets = [0, 4096], sizes = [1, 256], strides = [1, 1]} : vector<1x8192xbf16> to vector<1x256xbf16>
    %sub3A_341 = vector.broadcast %convert_element_type3A : vector<4096x1xbf16> to vector<4096x256xbf16>
    %sub3A_342 = vector.broadcast %slice3A_340 : vector<1x256xbf16> to vector<4096x256xbf16>
    %sub3A_343 = arith.subf %sub3A_341, %sub3A_342 : vector<4096x256xbf16>
    %abs3A_344 = math.absf %sub3A_343 : vector<4096x256xbf16>
    %slice3A_345 = vector.extract_strided_slice %add3A_17 {offsets = [0, 4096], sizes = [1, 256], strides = [1, 1]} : vector<1x8192xbf16> to vector<1x256xbf16>
    %le3A_346 = vector.broadcast %slice3A_345 : vector<1x256xbf16> to vector<4096x256xbf16>
    %le3A_347 = arith.cmpf ole, %abs3A_344, %le3A_346 : vector<4096x256xbf16>
    %slice3A_348 = vector.extract_strided_slice %convert_element_type3A_13 {offsets = [0, 4096], sizes = [1, 256], strides = [1, 1]} : vector<1x8192xbf16> to vector<1x256xbf16>
    %sub3A_349 = vector.broadcast %convert_element_type3A_5 : vector<4096x1xbf16> to vector<4096x256xbf16>
    %sub3A_350 = vector.broadcast %slice3A_348 : vector<1x256xbf16> to vector<4096x256xbf16>
    %sub3A_351 = arith.subf %sub3A_349, %sub3A_350 : vector<4096x256xbf16>
    %abs3A_352 = math.absf %sub3A_351 : vector<4096x256xbf16>
    %slice3A_353 = vector.extract_strided_slice %add3A_24 {offsets = [0, 4096], sizes = [1, 256], strides = [1, 1]} : vector<1x8192xbf16> to vector<1x256xbf16>
    %le3A_354 = vector.broadcast %slice3A_353 : vector<1x256xbf16> to vector<4096x256xbf16>
    %le3A_355 = arith.cmpf ole, %abs3A_352, %le3A_354 : vector<4096x256xbf16>
    %and3A_356 = arith.andi %le3A_347, %le3A_355 : vector<4096x256xi1>
    %jit3A_357 = arith.constant 1.600000e+01 : bf16
    %broadcast_in_dim3A_358 = vector.broadcast %jit3A_357 : bf16 to vector<4096x256xbf16>
    %select_n3A_359 = arith.select %and3A_356, %broadcast_in_dim3A_358, %select_n3A_339 : vector<4096x256xi1>, vector<4096x256xbf16>
    %slice3A_360 = vector.extract_strided_slice %convert_element_type3A_9 {offsets = [0, 4352], sizes = [1, 256], strides = [1, 1]} : vector<1x8192xbf16> to vector<1x256xbf16>
    %sub3A_361 = vector.broadcast %convert_element_type3A : vector<4096x1xbf16> to vector<4096x256xbf16>
    %sub3A_362 = vector.broadcast %slice3A_360 : vector<1x256xbf16> to vector<4096x256xbf16>
    %sub3A_363 = arith.subf %sub3A_361, %sub3A_362 : vector<4096x256xbf16>
    %abs3A_364 = math.absf %sub3A_363 : vector<4096x256xbf16>
    %slice3A_365 = vector.extract_strided_slice %add3A_17 {offsets = [0, 4352], sizes = [1, 256], strides = [1, 1]} : vector<1x8192xbf16> to vector<1x256xbf16>
    %le3A_366 = vector.broadcast %slice3A_365 : vector<1x256xbf16> to vector<4096x256xbf16>
    %le3A_367 = arith.cmpf ole, %abs3A_364, %le3A_366 : vector<4096x256xbf16>
    %slice3A_368 = vector.extract_strided_slice %convert_element_type3A_13 {offsets = [0, 4352], sizes = [1, 256], strides = [1, 1]} : vector<1x8192xbf16> to vector<1x256xbf16>
    %sub3A_369 = vector.broadcast %convert_element_type3A_5 : vector<4096x1xbf16> to vector<4096x256xbf16>
    %sub3A_370 = vector.broadcast %slice3A_368 : vector<1x256xbf16> to vector<4096x256xbf16>
    %sub3A_371 = arith.subf %sub3A_369, %sub3A_370 : vector<4096x256xbf16>
    %abs3A_372 = math.absf %sub3A_371 : vector<4096x256xbf16>
    %slice3A_373 = vector.extract_strided_slice %add3A_24 {offsets = [0, 4352], sizes = [1, 256], strides = [1, 1]} : vector<1x8192xbf16> to vector<1x256xbf16>
    %le3A_374 = vector.broadcast %slice3A_373 : vector<1x256xbf16> to vector<4096x256xbf16>
    %le3A_375 = arith.cmpf ole, %abs3A_372, %le3A_374 : vector<4096x256xbf16>
    %and3A_376 = arith.andi %le3A_367, %le3A_375 : vector<4096x256xi1>
    %jit3A_377 = arith.constant 1.700000e+01 : bf16
    %broadcast_in_dim3A_378 = vector.broadcast %jit3A_377 : bf16 to vector<4096x256xbf16>
    %select_n3A_379 = arith.select %and3A_376, %broadcast_in_dim3A_378, %select_n3A_359 : vector<4096x256xi1>, vector<4096x256xbf16>
    %slice3A_380 = vector.extract_strided_slice %convert_element_type3A_9 {offsets = [0, 4608], sizes = [1, 256], strides = [1, 1]} : vector<1x8192xbf16> to vector<1x256xbf16>
    %sub3A_381 = vector.broadcast %convert_element_type3A : vector<4096x1xbf16> to vector<4096x256xbf16>
    %sub3A_382 = vector.broadcast %slice3A_380 : vector<1x256xbf16> to vector<4096x256xbf16>
    %sub3A_383 = arith.subf %sub3A_381, %sub3A_382 : vector<4096x256xbf16>
    %abs3A_384 = math.absf %sub3A_383 : vector<4096x256xbf16>
    %slice3A_385 = vector.extract_strided_slice %add3A_17 {offsets = [0, 4608], sizes = [1, 256], strides = [1, 1]} : vector<1x8192xbf16> to vector<1x256xbf16>
    %le3A_386 = vector.broadcast %slice3A_385 : vector<1x256xbf16> to vector<4096x256xbf16>
    %le3A_387 = arith.cmpf ole, %abs3A_384, %le3A_386 : vector<4096x256xbf16>
    %slice3A_388 = vector.extract_strided_slice %convert_element_type3A_13 {offsets = [0, 4608], sizes = [1, 256], strides = [1, 1]} : vector<1x8192xbf16> to vector<1x256xbf16>
    %sub3A_389 = vector.broadcast %convert_element_type3A_5 : vector<4096x1xbf16> to vector<4096x256xbf16>
    %sub3A_390 = vector.broadcast %slice3A_388 : vector<1x256xbf16> to vector<4096x256xbf16>
    %sub3A_391 = arith.subf %sub3A_389, %sub3A_390 : vector<4096x256xbf16>
    %abs3A_392 = math.absf %sub3A_391 : vector<4096x256xbf16>
    %slice3A_393 = vector.extract_strided_slice %add3A_24 {offsets = [0, 4608], sizes = [1, 256], strides = [1, 1]} : vector<1x8192xbf16> to vector<1x256xbf16>
    %le3A_394 = vector.broadcast %slice3A_393 : vector<1x256xbf16> to vector<4096x256xbf16>
    %le3A_395 = arith.cmpf ole, %abs3A_392, %le3A_394 : vector<4096x256xbf16>
    %and3A_396 = arith.andi %le3A_387, %le3A_395 : vector<4096x256xi1>
    %jit3A_397 = arith.constant 1.800000e+01 : bf16
    %broadcast_in_dim3A_398 = vector.broadcast %jit3A_397 : bf16 to vector<4096x256xbf16>
    %select_n3A_399 = arith.select %and3A_396, %broadcast_in_dim3A_398, %select_n3A_379 : vector<4096x256xi1>, vector<4096x256xbf16>
    %slice3A_400 = vector.extract_strided_slice %convert_element_type3A_9 {offsets = [0, 4864], sizes = [1, 256], strides = [1, 1]} : vector<1x8192xbf16> to vector<1x256xbf16>
    %sub3A_401 = vector.broadcast %convert_element_type3A : vector<4096x1xbf16> to vector<4096x256xbf16>
    %sub3A_402 = vector.broadcast %slice3A_400 : vector<1x256xbf16> to vector<4096x256xbf16>
    %sub3A_403 = arith.subf %sub3A_401, %sub3A_402 : vector<4096x256xbf16>
    %abs3A_404 = math.absf %sub3A_403 : vector<4096x256xbf16>
    %slice3A_405 = vector.extract_strided_slice %add3A_17 {offsets = [0, 4864], sizes = [1, 256], strides = [1, 1]} : vector<1x8192xbf16> to vector<1x256xbf16>
    %le3A_406 = vector.broadcast %slice3A_405 : vector<1x256xbf16> to vector<4096x256xbf16>
    %le3A_407 = arith.cmpf ole, %abs3A_404, %le3A_406 : vector<4096x256xbf16>
    %slice3A_408 = vector.extract_strided_slice %convert_element_type3A_13 {offsets = [0, 4864], sizes = [1, 256], strides = [1, 1]} : vector<1x8192xbf16> to vector<1x256xbf16>
    %sub3A_409 = vector.broadcast %convert_element_type3A_5 : vector<4096x1xbf16> to vector<4096x256xbf16>
    %sub3A_410 = vector.broadcast %slice3A_408 : vector<1x256xbf16> to vector<4096x256xbf16>
    %sub3A_411 = arith.subf %sub3A_409, %sub3A_410 : vector<4096x256xbf16>
    %abs3A_412 = math.absf %sub3A_411 : vector<4096x256xbf16>
    %slice3A_413 = vector.extract_strided_slice %add3A_24 {offsets = [0, 4864], sizes = [1, 256], strides = [1, 1]} : vector<1x8192xbf16> to vector<1x256xbf16>
    %le3A_414 = vector.broadcast %slice3A_413 : vector<1x256xbf16> to vector<4096x256xbf16>
    %le3A_415 = arith.cmpf ole, %abs3A_412, %le3A_414 : vector<4096x256xbf16>
    %and3A_416 = arith.andi %le3A_407, %le3A_415 : vector<4096x256xi1>
    %jit3A_417 = arith.constant 1.900000e+01 : bf16
    %broadcast_in_dim3A_418 = vector.broadcast %jit3A_417 : bf16 to vector<4096x256xbf16>
    %select_n3A_419 = arith.select %and3A_416, %broadcast_in_dim3A_418, %select_n3A_399 : vector<4096x256xi1>, vector<4096x256xbf16>
    %slice3A_420 = vector.extract_strided_slice %convert_element_type3A_9 {offsets = [0, 5120], sizes = [1, 256], strides = [1, 1]} : vector<1x8192xbf16> to vector<1x256xbf16>
    %sub3A_421 = vector.broadcast %convert_element_type3A : vector<4096x1xbf16> to vector<4096x256xbf16>
    %sub3A_422 = vector.broadcast %slice3A_420 : vector<1x256xbf16> to vector<4096x256xbf16>
    %sub3A_423 = arith.subf %sub3A_421, %sub3A_422 : vector<4096x256xbf16>
    %abs3A_424 = math.absf %sub3A_423 : vector<4096x256xbf16>
    %slice3A_425 = vector.extract_strided_slice %add3A_17 {offsets = [0, 5120], sizes = [1, 256], strides = [1, 1]} : vector<1x8192xbf16> to vector<1x256xbf16>
    %le3A_426 = vector.broadcast %slice3A_425 : vector<1x256xbf16> to vector<4096x256xbf16>
    %le3A_427 = arith.cmpf ole, %abs3A_424, %le3A_426 : vector<4096x256xbf16>
    %slice3A_428 = vector.extract_strided_slice %convert_element_type3A_13 {offsets = [0, 5120], sizes = [1, 256], strides = [1, 1]} : vector<1x8192xbf16> to vector<1x256xbf16>
    %sub3A_429 = vector.broadcast %convert_element_type3A_5 : vector<4096x1xbf16> to vector<4096x256xbf16>
    %sub3A_430 = vector.broadcast %slice3A_428 : vector<1x256xbf16> to vector<4096x256xbf16>
    %sub3A_431 = arith.subf %sub3A_429, %sub3A_430 : vector<4096x256xbf16>
    %abs3A_432 = math.absf %sub3A_431 : vector<4096x256xbf16>
    %slice3A_433 = vector.extract_strided_slice %add3A_24 {offsets = [0, 5120], sizes = [1, 256], strides = [1, 1]} : vector<1x8192xbf16> to vector<1x256xbf16>
    %le3A_434 = vector.broadcast %slice3A_433 : vector<1x256xbf16> to vector<4096x256xbf16>
    %le3A_435 = arith.cmpf ole, %abs3A_432, %le3A_434 : vector<4096x256xbf16>
    %and3A_436 = arith.andi %le3A_427, %le3A_435 : vector<4096x256xi1>
    %jit3A_437 = arith.constant 2.000000e+01 : bf16
    %broadcast_in_dim3A_438 = vector.broadcast %jit3A_437 : bf16 to vector<4096x256xbf16>
    %select_n3A_439 = arith.select %and3A_436, %broadcast_in_dim3A_438, %select_n3A_419 : vector<4096x256xi1>, vector<4096x256xbf16>
    %slice3A_440 = vector.extract_strided_slice %convert_element_type3A_9 {offsets = [0, 5376], sizes = [1, 256], strides = [1, 1]} : vector<1x8192xbf16> to vector<1x256xbf16>
    %sub3A_441 = vector.broadcast %convert_element_type3A : vector<4096x1xbf16> to vector<4096x256xbf16>
    %sub3A_442 = vector.broadcast %slice3A_440 : vector<1x256xbf16> to vector<4096x256xbf16>
    %sub3A_443 = arith.subf %sub3A_441, %sub3A_442 : vector<4096x256xbf16>
    %abs3A_444 = math.absf %sub3A_443 : vector<4096x256xbf16>
    %slice3A_445 = vector.extract_strided_slice %add3A_17 {offsets = [0, 5376], sizes = [1, 256], strides = [1, 1]} : vector<1x8192xbf16> to vector<1x256xbf16>
    %le3A_446 = vector.broadcast %slice3A_445 : vector<1x256xbf16> to vector<4096x256xbf16>
    %le3A_447 = arith.cmpf ole, %abs3A_444, %le3A_446 : vector<4096x256xbf16>
    %slice3A_448 = vector.extract_strided_slice %convert_element_type3A_13 {offsets = [0, 5376], sizes = [1, 256], strides = [1, 1]} : vector<1x8192xbf16> to vector<1x256xbf16>
    %sub3A_449 = vector.broadcast %convert_element_type3A_5 : vector<4096x1xbf16> to vector<4096x256xbf16>
    %sub3A_450 = vector.broadcast %slice3A_448 : vector<1x256xbf16> to vector<4096x256xbf16>
    %sub3A_451 = arith.subf %sub3A_449, %sub3A_450 : vector<4096x256xbf16>
    %abs3A_452 = math.absf %sub3A_451 : vector<4096x256xbf16>
    %slice3A_453 = vector.extract_strided_slice %add3A_24 {offsets = [0, 5376], sizes = [1, 256], strides = [1, 1]} : vector<1x8192xbf16> to vector<1x256xbf16>
    %le3A_454 = vector.broadcast %slice3A_453 : vector<1x256xbf16> to vector<4096x256xbf16>
    %le3A_455 = arith.cmpf ole, %abs3A_452, %le3A_454 : vector<4096x256xbf16>
    %and3A_456 = arith.andi %le3A_447, %le3A_455 : vector<4096x256xi1>
    %jit3A_457 = arith.constant 2.100000e+01 : bf16
    %broadcast_in_dim3A_458 = vector.broadcast %jit3A_457 : bf16 to vector<4096x256xbf16>
    %select_n3A_459 = arith.select %and3A_456, %broadcast_in_dim3A_458, %select_n3A_439 : vector<4096x256xi1>, vector<4096x256xbf16>
    %slice3A_460 = vector.extract_strided_slice %convert_element_type3A_9 {offsets = [0, 5632], sizes = [1, 256], strides = [1, 1]} : vector<1x8192xbf16> to vector<1x256xbf16>
    %sub3A_461 = vector.broadcast %convert_element_type3A : vector<4096x1xbf16> to vector<4096x256xbf16>
    %sub3A_462 = vector.broadcast %slice3A_460 : vector<1x256xbf16> to vector<4096x256xbf16>
    %sub3A_463 = arith.subf %sub3A_461, %sub3A_462 : vector<4096x256xbf16>
    %abs3A_464 = math.absf %sub3A_463 : vector<4096x256xbf16>
    %slice3A_465 = vector.extract_strided_slice %add3A_17 {offsets = [0, 5632], sizes = [1, 256], strides = [1, 1]} : vector<1x8192xbf16> to vector<1x256xbf16>
    %le3A_466 = vector.broadcast %slice3A_465 : vector<1x256xbf16> to vector<4096x256xbf16>
    %le3A_467 = arith.cmpf ole, %abs3A_464, %le3A_466 : vector<4096x256xbf16>
    %slice3A_468 = vector.extract_strided_slice %convert_element_type3A_13 {offsets = [0, 5632], sizes = [1, 256], strides = [1, 1]} : vector<1x8192xbf16> to vector<1x256xbf16>
    %sub3A_469 = vector.broadcast %convert_element_type3A_5 : vector<4096x1xbf16> to vector<4096x256xbf16>
    %sub3A_470 = vector.broadcast %slice3A_468 : vector<1x256xbf16> to vector<4096x256xbf16>
    %sub3A_471 = arith.subf %sub3A_469, %sub3A_470 : vector<4096x256xbf16>
    %abs3A_472 = math.absf %sub3A_471 : vector<4096x256xbf16>
    %slice3A_473 = vector.extract_strided_slice %add3A_24 {offsets = [0, 5632], sizes = [1, 256], strides = [1, 1]} : vector<1x8192xbf16> to vector<1x256xbf16>
    %le3A_474 = vector.broadcast %slice3A_473 : vector<1x256xbf16> to vector<4096x256xbf16>
    %le3A_475 = arith.cmpf ole, %abs3A_472, %le3A_474 : vector<4096x256xbf16>
    %and3A_476 = arith.andi %le3A_467, %le3A_475 : vector<4096x256xi1>
    %jit3A_477 = arith.constant 2.200000e+01 : bf16
    %broadcast_in_dim3A_478 = vector.broadcast %jit3A_477 : bf16 to vector<4096x256xbf16>
    %select_n3A_479 = arith.select %and3A_476, %broadcast_in_dim3A_478, %select_n3A_459 : vector<4096x256xi1>, vector<4096x256xbf16>
    %slice3A_480 = vector.extract_strided_slice %convert_element_type3A_9 {offsets = [0, 5888], sizes = [1, 256], strides = [1, 1]} : vector<1x8192xbf16> to vector<1x256xbf16>
    %sub3A_481 = vector.broadcast %convert_element_type3A : vector<4096x1xbf16> to vector<4096x256xbf16>
    %sub3A_482 = vector.broadcast %slice3A_480 : vector<1x256xbf16> to vector<4096x256xbf16>
    %sub3A_483 = arith.subf %sub3A_481, %sub3A_482 : vector<4096x256xbf16>
    %abs3A_484 = math.absf %sub3A_483 : vector<4096x256xbf16>
    %slice3A_485 = vector.extract_strided_slice %add3A_17 {offsets = [0, 5888], sizes = [1, 256], strides = [1, 1]} : vector<1x8192xbf16> to vector<1x256xbf16>
    %le3A_486 = vector.broadcast %slice3A_485 : vector<1x256xbf16> to vector<4096x256xbf16>
    %le3A_487 = arith.cmpf ole, %abs3A_484, %le3A_486 : vector<4096x256xbf16>
    %slice3A_488 = vector.extract_strided_slice %convert_element_type3A_13 {offsets = [0, 5888], sizes = [1, 256], strides = [1, 1]} : vector<1x8192xbf16> to vector<1x256xbf16>
    %sub3A_489 = vector.broadcast %convert_element_type3A_5 : vector<4096x1xbf16> to vector<4096x256xbf16>
    %sub3A_490 = vector.broadcast %slice3A_488 : vector<1x256xbf16> to vector<4096x256xbf16>
    %sub3A_491 = arith.subf %sub3A_489, %sub3A_490 : vector<4096x256xbf16>
    %abs3A_492 = math.absf %sub3A_491 : vector<4096x256xbf16>
    %slice3A_493 = vector.extract_strided_slice %add3A_24 {offsets = [0, 5888], sizes = [1, 256], strides = [1, 1]} : vector<1x8192xbf16> to vector<1x256xbf16>
    %le3A_494 = vector.broadcast %slice3A_493 : vector<1x256xbf16> to vector<4096x256xbf16>
    %le3A_495 = arith.cmpf ole, %abs3A_492, %le3A_494 : vector<4096x256xbf16>
    %and3A_496 = arith.andi %le3A_487, %le3A_495 : vector<4096x256xi1>
    %jit3A_497 = arith.constant 2.300000e+01 : bf16
    %broadcast_in_dim3A_498 = vector.broadcast %jit3A_497 : bf16 to vector<4096x256xbf16>
    %select_n3A_499 = arith.select %and3A_496, %broadcast_in_dim3A_498, %select_n3A_479 : vector<4096x256xi1>, vector<4096x256xbf16>
    %slice3A_500 = vector.extract_strided_slice %convert_element_type3A_9 {offsets = [0, 6144], sizes = [1, 256], strides = [1, 1]} : vector<1x8192xbf16> to vector<1x256xbf16>
    %sub3A_501 = vector.broadcast %convert_element_type3A : vector<4096x1xbf16> to vector<4096x256xbf16>
    %sub3A_502 = vector.broadcast %slice3A_500 : vector<1x256xbf16> to vector<4096x256xbf16>
    %sub3A_503 = arith.subf %sub3A_501, %sub3A_502 : vector<4096x256xbf16>
    %abs3A_504 = math.absf %sub3A_503 : vector<4096x256xbf16>
    %slice3A_505 = vector.extract_strided_slice %add3A_17 {offsets = [0, 6144], sizes = [1, 256], strides = [1, 1]} : vector<1x8192xbf16> to vector<1x256xbf16>
    %le3A_506 = vector.broadcast %slice3A_505 : vector<1x256xbf16> to vector<4096x256xbf16>
    %le3A_507 = arith.cmpf ole, %abs3A_504, %le3A_506 : vector<4096x256xbf16>
    %slice3A_508 = vector.extract_strided_slice %convert_element_type3A_13 {offsets = [0, 6144], sizes = [1, 256], strides = [1, 1]} : vector<1x8192xbf16> to vector<1x256xbf16>
    %sub3A_509 = vector.broadcast %convert_element_type3A_5 : vector<4096x1xbf16> to vector<4096x256xbf16>
    %sub3A_510 = vector.broadcast %slice3A_508 : vector<1x256xbf16> to vector<4096x256xbf16>
    %sub3A_511 = arith.subf %sub3A_509, %sub3A_510 : vector<4096x256xbf16>
    %abs3A_512 = math.absf %sub3A_511 : vector<4096x256xbf16>
    %slice3A_513 = vector.extract_strided_slice %add3A_24 {offsets = [0, 6144], sizes = [1, 256], strides = [1, 1]} : vector<1x8192xbf16> to vector<1x256xbf16>
    %le3A_514 = vector.broadcast %slice3A_513 : vector<1x256xbf16> to vector<4096x256xbf16>
    %le3A_515 = arith.cmpf ole, %abs3A_512, %le3A_514 : vector<4096x256xbf16>
    %and3A_516 = arith.andi %le3A_507, %le3A_515 : vector<4096x256xi1>
    %jit3A_517 = arith.constant 2.400000e+01 : bf16
    %broadcast_in_dim3A_518 = vector.broadcast %jit3A_517 : bf16 to vector<4096x256xbf16>
    %select_n3A_519 = arith.select %and3A_516, %broadcast_in_dim3A_518, %select_n3A_499 : vector<4096x256xi1>, vector<4096x256xbf16>
    %slice3A_520 = vector.extract_strided_slice %convert_element_type3A_9 {offsets = [0, 6400], sizes = [1, 256], strides = [1, 1]} : vector<1x8192xbf16> to vector<1x256xbf16>
    %sub3A_521 = vector.broadcast %convert_element_type3A : vector<4096x1xbf16> to vector<4096x256xbf16>
    %sub3A_522 = vector.broadcast %slice3A_520 : vector<1x256xbf16> to vector<4096x256xbf16>
    %sub3A_523 = arith.subf %sub3A_521, %sub3A_522 : vector<4096x256xbf16>
    %abs3A_524 = math.absf %sub3A_523 : vector<4096x256xbf16>
    %slice3A_525 = vector.extract_strided_slice %add3A_17 {offsets = [0, 6400], sizes = [1, 256], strides = [1, 1]} : vector<1x8192xbf16> to vector<1x256xbf16>
    %le3A_526 = vector.broadcast %slice3A_525 : vector<1x256xbf16> to vector<4096x256xbf16>
    %le3A_527 = arith.cmpf ole, %abs3A_524, %le3A_526 : vector<4096x256xbf16>
    %slice3A_528 = vector.extract_strided_slice %convert_element_type3A_13 {offsets = [0, 6400], sizes = [1, 256], strides = [1, 1]} : vector<1x8192xbf16> to vector<1x256xbf16>
    %sub3A_529 = vector.broadcast %convert_element_type3A_5 : vector<4096x1xbf16> to vector<4096x256xbf16>
    %sub3A_530 = vector.broadcast %slice3A_528 : vector<1x256xbf16> to vector<4096x256xbf16>
    %sub3A_531 = arith.subf %sub3A_529, %sub3A_530 : vector<4096x256xbf16>
    %abs3A_532 = math.absf %sub3A_531 : vector<4096x256xbf16>
    %slice3A_533 = vector.extract_strided_slice %add3A_24 {offsets = [0, 6400], sizes = [1, 256], strides = [1, 1]} : vector<1x8192xbf16> to vector<1x256xbf16>
    %le3A_534 = vector.broadcast %slice3A_533 : vector<1x256xbf16> to vector<4096x256xbf16>
    %le3A_535 = arith.cmpf ole, %abs3A_532, %le3A_534 : vector<4096x256xbf16>
    %and3A_536 = arith.andi %le3A_527, %le3A_535 : vector<4096x256xi1>
    %jit3A_537 = arith.constant 2.500000e+01 : bf16
    %broadcast_in_dim3A_538 = vector.broadcast %jit3A_537 : bf16 to vector<4096x256xbf16>
    %select_n3A_539 = arith.select %and3A_536, %broadcast_in_dim3A_538, %select_n3A_519 : vector<4096x256xi1>, vector<4096x256xbf16>
    %slice3A_540 = vector.extract_strided_slice %convert_element_type3A_9 {offsets = [0, 6656], sizes = [1, 256], strides = [1, 1]} : vector<1x8192xbf16> to vector<1x256xbf16>
    %sub3A_541 = vector.broadcast %convert_element_type3A : vector<4096x1xbf16> to vector<4096x256xbf16>
    %sub3A_542 = vector.broadcast %slice3A_540 : vector<1x256xbf16> to vector<4096x256xbf16>
    %sub3A_543 = arith.subf %sub3A_541, %sub3A_542 : vector<4096x256xbf16>
    %abs3A_544 = math.absf %sub3A_543 : vector<4096x256xbf16>
    %slice3A_545 = vector.extract_strided_slice %add3A_17 {offsets = [0, 6656], sizes = [1, 256], strides = [1, 1]} : vector<1x8192xbf16> to vector<1x256xbf16>
    %le3A_546 = vector.broadcast %slice3A_545 : vector<1x256xbf16> to vector<4096x256xbf16>
    %le3A_547 = arith.cmpf ole, %abs3A_544, %le3A_546 : vector<4096x256xbf16>
    %slice3A_548 = vector.extract_strided_slice %convert_element_type3A_13 {offsets = [0, 6656], sizes = [1, 256], strides = [1, 1]} : vector<1x8192xbf16> to vector<1x256xbf16>
    %sub3A_549 = vector.broadcast %convert_element_type3A_5 : vector<4096x1xbf16> to vector<4096x256xbf16>
    %sub3A_550 = vector.broadcast %slice3A_548 : vector<1x256xbf16> to vector<4096x256xbf16>
    %sub3A_551 = arith.subf %sub3A_549, %sub3A_550 : vector<4096x256xbf16>
    %abs3A_552 = math.absf %sub3A_551 : vector<4096x256xbf16>
    %slice3A_553 = vector.extract_strided_slice %add3A_24 {offsets = [0, 6656], sizes = [1, 256], strides = [1, 1]} : vector<1x8192xbf16> to vector<1x256xbf16>
    %le3A_554 = vector.broadcast %slice3A_553 : vector<1x256xbf16> to vector<4096x256xbf16>
    %le3A_555 = arith.cmpf ole, %abs3A_552, %le3A_554 : vector<4096x256xbf16>
    %and3A_556 = arith.andi %le3A_547, %le3A_555 : vector<4096x256xi1>
    %jit3A_557 = arith.constant 2.600000e+01 : bf16
    %broadcast_in_dim3A_558 = vector.broadcast %jit3A_557 : bf16 to vector<4096x256xbf16>
    %select_n3A_559 = arith.select %and3A_556, %broadcast_in_dim3A_558, %select_n3A_539 : vector<4096x256xi1>, vector<4096x256xbf16>
    %slice3A_560 = vector.extract_strided_slice %convert_element_type3A_9 {offsets = [0, 6912], sizes = [1, 256], strides = [1, 1]} : vector<1x8192xbf16> to vector<1x256xbf16>
    %sub3A_561 = vector.broadcast %convert_element_type3A : vector<4096x1xbf16> to vector<4096x256xbf16>
    %sub3A_562 = vector.broadcast %slice3A_560 : vector<1x256xbf16> to vector<4096x256xbf16>
    %sub3A_563 = arith.subf %sub3A_561, %sub3A_562 : vector<4096x256xbf16>
    %abs3A_564 = math.absf %sub3A_563 : vector<4096x256xbf16>
    %slice3A_565 = vector.extract_strided_slice %add3A_17 {offsets = [0, 6912], sizes = [1, 256], strides = [1, 1]} : vector<1x8192xbf16> to vector<1x256xbf16>
    %le3A_566 = vector.broadcast %slice3A_565 : vector<1x256xbf16> to vector<4096x256xbf16>
    %le3A_567 = arith.cmpf ole, %abs3A_564, %le3A_566 : vector<4096x256xbf16>
    %slice3A_568 = vector.extract_strided_slice %convert_element_type3A_13 {offsets = [0, 6912], sizes = [1, 256], strides = [1, 1]} : vector<1x8192xbf16> to vector<1x256xbf16>
    %sub3A_569 = vector.broadcast %convert_element_type3A_5 : vector<4096x1xbf16> to vector<4096x256xbf16>
    %sub3A_570 = vector.broadcast %slice3A_568 : vector<1x256xbf16> to vector<4096x256xbf16>
    %sub3A_571 = arith.subf %sub3A_569, %sub3A_570 : vector<4096x256xbf16>
    %abs3A_572 = math.absf %sub3A_571 : vector<4096x256xbf16>
    %slice3A_573 = vector.extract_strided_slice %add3A_24 {offsets = [0, 6912], sizes = [1, 256], strides = [1, 1]} : vector<1x8192xbf16> to vector<1x256xbf16>
    %le3A_574 = vector.broadcast %slice3A_573 : vector<1x256xbf16> to vector<4096x256xbf16>
    %le3A_575 = arith.cmpf ole, %abs3A_572, %le3A_574 : vector<4096x256xbf16>
    %and3A_576 = arith.andi %le3A_567, %le3A_575 : vector<4096x256xi1>
    %jit3A_577 = arith.constant 2.700000e+01 : bf16
    %broadcast_in_dim3A_578 = vector.broadcast %jit3A_577 : bf16 to vector<4096x256xbf16>
    %select_n3A_579 = arith.select %and3A_576, %broadcast_in_dim3A_578, %select_n3A_559 : vector<4096x256xi1>, vector<4096x256xbf16>
    %slice3A_580 = vector.extract_strided_slice %convert_element_type3A_9 {offsets = [0, 7168], sizes = [1, 256], strides = [1, 1]} : vector<1x8192xbf16> to vector<1x256xbf16>
    %sub3A_581 = vector.broadcast %convert_element_type3A : vector<4096x1xbf16> to vector<4096x256xbf16>
    %sub3A_582 = vector.broadcast %slice3A_580 : vector<1x256xbf16> to vector<4096x256xbf16>
    %sub3A_583 = arith.subf %sub3A_581, %sub3A_582 : vector<4096x256xbf16>
    %abs3A_584 = math.absf %sub3A_583 : vector<4096x256xbf16>
    %slice3A_585 = vector.extract_strided_slice %add3A_17 {offsets = [0, 7168], sizes = [1, 256], strides = [1, 1]} : vector<1x8192xbf16> to vector<1x256xbf16>
    %le3A_586 = vector.broadcast %slice3A_585 : vector<1x256xbf16> to vector<4096x256xbf16>
    %le3A_587 = arith.cmpf ole, %abs3A_584, %le3A_586 : vector<4096x256xbf16>
    %slice3A_588 = vector.extract_strided_slice %convert_element_type3A_13 {offsets = [0, 7168], sizes = [1, 256], strides = [1, 1]} : vector<1x8192xbf16> to vector<1x256xbf16>
    %sub3A_589 = vector.broadcast %convert_element_type3A_5 : vector<4096x1xbf16> to vector<4096x256xbf16>
    %sub3A_590 = vector.broadcast %slice3A_588 : vector<1x256xbf16> to vector<4096x256xbf16>
    %sub3A_591 = arith.subf %sub3A_589, %sub3A_590 : vector<4096x256xbf16>
    %abs3A_592 = math.absf %sub3A_591 : vector<4096x256xbf16>
    %slice3A_593 = vector.extract_strided_slice %add3A_24 {offsets = [0, 7168], sizes = [1, 256], strides = [1, 1]} : vector<1x8192xbf16> to vector<1x256xbf16>
    %le3A_594 = vector.broadcast %slice3A_593 : vector<1x256xbf16> to vector<4096x256xbf16>
    %le3A_595 = arith.cmpf ole, %abs3A_592, %le3A_594 : vector<4096x256xbf16>
    %and3A_596 = arith.andi %le3A_587, %le3A_595 : vector<4096x256xi1>
    %jit3A_597 = arith.constant 2.800000e+01 : bf16
    %broadcast_in_dim3A_598 = vector.broadcast %jit3A_597 : bf16 to vector<4096x256xbf16>
    %select_n3A_599 = arith.select %and3A_596, %broadcast_in_dim3A_598, %select_n3A_579 : vector<4096x256xi1>, vector<4096x256xbf16>
    %slice3A_600 = vector.extract_strided_slice %convert_element_type3A_9 {offsets = [0, 7424], sizes = [1, 256], strides = [1, 1]} : vector<1x8192xbf16> to vector<1x256xbf16>
    %sub3A_601 = vector.broadcast %convert_element_type3A : vector<4096x1xbf16> to vector<4096x256xbf16>
    %sub3A_602 = vector.broadcast %slice3A_600 : vector<1x256xbf16> to vector<4096x256xbf16>
    %sub3A_603 = arith.subf %sub3A_601, %sub3A_602 : vector<4096x256xbf16>
    %abs3A_604 = math.absf %sub3A_603 : vector<4096x256xbf16>
    %slice3A_605 = vector.extract_strided_slice %add3A_17 {offsets = [0, 7424], sizes = [1, 256], strides = [1, 1]} : vector<1x8192xbf16> to vector<1x256xbf16>
    %le3A_606 = vector.broadcast %slice3A_605 : vector<1x256xbf16> to vector<4096x256xbf16>
    %le3A_607 = arith.cmpf ole, %abs3A_604, %le3A_606 : vector<4096x256xbf16>
    %slice3A_608 = vector.extract_strided_slice %convert_element_type3A_13 {offsets = [0, 7424], sizes = [1, 256], strides = [1, 1]} : vector<1x8192xbf16> to vector<1x256xbf16>
    %sub3A_609 = vector.broadcast %convert_element_type3A_5 : vector<4096x1xbf16> to vector<4096x256xbf16>
    %sub3A_610 = vector.broadcast %slice3A_608 : vector<1x256xbf16> to vector<4096x256xbf16>
    %sub3A_611 = arith.subf %sub3A_609, %sub3A_610 : vector<4096x256xbf16>
    %abs3A_612 = math.absf %sub3A_611 : vector<4096x256xbf16>
    %slice3A_613 = vector.extract_strided_slice %add3A_24 {offsets = [0, 7424], sizes = [1, 256], strides = [1, 1]} : vector<1x8192xbf16> to vector<1x256xbf16>
    %le3A_614 = vector.broadcast %slice3A_613 : vector<1x256xbf16> to vector<4096x256xbf16>
    %le3A_615 = arith.cmpf ole, %abs3A_612, %le3A_614 : vector<4096x256xbf16>
    %and3A_616 = arith.andi %le3A_607, %le3A_615 : vector<4096x256xi1>
    %jit3A_617 = arith.constant 2.900000e+01 : bf16
    %broadcast_in_dim3A_618 = vector.broadcast %jit3A_617 : bf16 to vector<4096x256xbf16>
    %select_n3A_619 = arith.select %and3A_616, %broadcast_in_dim3A_618, %select_n3A_599 : vector<4096x256xi1>, vector<4096x256xbf16>
    %slice3A_620 = vector.extract_strided_slice %convert_element_type3A_9 {offsets = [0, 7680], sizes = [1, 256], strides = [1, 1]} : vector<1x8192xbf16> to vector<1x256xbf16>
    %sub3A_621 = vector.broadcast %convert_element_type3A : vector<4096x1xbf16> to vector<4096x256xbf16>
    %sub3A_622 = vector.broadcast %slice3A_620 : vector<1x256xbf16> to vector<4096x256xbf16>
    %sub3A_623 = arith.subf %sub3A_621, %sub3A_622 : vector<4096x256xbf16>
    %abs3A_624 = math.absf %sub3A_623 : vector<4096x256xbf16>
    %slice3A_625 = vector.extract_strided_slice %add3A_17 {offsets = [0, 7680], sizes = [1, 256], strides = [1, 1]} : vector<1x8192xbf16> to vector<1x256xbf16>
    %le3A_626 = vector.broadcast %slice3A_625 : vector<1x256xbf16> to vector<4096x256xbf16>
    %le3A_627 = arith.cmpf ole, %abs3A_624, %le3A_626 : vector<4096x256xbf16>
    %slice3A_628 = vector.extract_strided_slice %convert_element_type3A_13 {offsets = [0, 7680], sizes = [1, 256], strides = [1, 1]} : vector<1x8192xbf16> to vector<1x256xbf16>
    %sub3A_629 = vector.broadcast %convert_element_type3A_5 : vector<4096x1xbf16> to vector<4096x256xbf16>
    %sub3A_630 = vector.broadcast %slice3A_628 : vector<1x256xbf16> to vector<4096x256xbf16>
    %sub3A_631 = arith.subf %sub3A_629, %sub3A_630 : vector<4096x256xbf16>
    %abs3A_632 = math.absf %sub3A_631 : vector<4096x256xbf16>
    %slice3A_633 = vector.extract_strided_slice %add3A_24 {offsets = [0, 7680], sizes = [1, 256], strides = [1, 1]} : vector<1x8192xbf16> to vector<1x256xbf16>
    %le3A_634 = vector.broadcast %slice3A_633 : vector<1x256xbf16> to vector<4096x256xbf16>
    %le3A_635 = arith.cmpf ole, %abs3A_632, %le3A_634 : vector<4096x256xbf16>
    %and3A_636 = arith.andi %le3A_627, %le3A_635 : vector<4096x256xi1>
    %jit3A_637 = arith.constant 3.000000e+01 : bf16
    %broadcast_in_dim3A_638 = vector.broadcast %jit3A_637 : bf16 to vector<4096x256xbf16>
    %select_n3A_639 = arith.select %and3A_636, %broadcast_in_dim3A_638, %select_n3A_619 : vector<4096x256xi1>, vector<4096x256xbf16>
    %slice3A_640 = vector.extract_strided_slice %convert_element_type3A_9 {offsets = [0, 7936], sizes = [1, 256], strides = [1, 1]} : vector<1x8192xbf16> to vector<1x256xbf16>
    %sub3A_641 = vector.broadcast %convert_element_type3A : vector<4096x1xbf16> to vector<4096x256xbf16>
    %sub3A_642 = vector.broadcast %slice3A_640 : vector<1x256xbf16> to vector<4096x256xbf16>
    %sub3A_643 = arith.subf %sub3A_641, %sub3A_642 : vector<4096x256xbf16>
    %abs3A_644 = math.absf %sub3A_643 : vector<4096x256xbf16>
    %slice3A_645 = vector.extract_strided_slice %add3A_17 {offsets = [0, 7936], sizes = [1, 256], strides = [1, 1]} : vector<1x8192xbf16> to vector<1x256xbf16>
    %le3A_646 = vector.broadcast %slice3A_645 : vector<1x256xbf16> to vector<4096x256xbf16>
    %le3A_647 = arith.cmpf ole, %abs3A_644, %le3A_646 : vector<4096x256xbf16>
    %slice3A_648 = vector.extract_strided_slice %convert_element_type3A_13 {offsets = [0, 7936], sizes = [1, 256], strides = [1, 1]} : vector<1x8192xbf16> to vector<1x256xbf16>
    %sub3A_649 = vector.broadcast %convert_element_type3A_5 : vector<4096x1xbf16> to vector<4096x256xbf16>
    %sub3A_650 = vector.broadcast %slice3A_648 : vector<1x256xbf16> to vector<4096x256xbf16>
    %sub3A_651 = arith.subf %sub3A_649, %sub3A_650 : vector<4096x256xbf16>
    %abs3A_652 = math.absf %sub3A_651 : vector<4096x256xbf16>
    %slice3A_653 = vector.extract_strided_slice %add3A_24 {offsets = [0, 7936], sizes = [1, 256], strides = [1, 1]} : vector<1x8192xbf16> to vector<1x256xbf16>
    %le3A_654 = vector.broadcast %slice3A_653 : vector<1x256xbf16> to vector<4096x256xbf16>
    %le3A_655 = arith.cmpf ole, %abs3A_652, %le3A_654 : vector<4096x256xbf16>
    %and3A_656 = arith.andi %le3A_647, %le3A_655 : vector<4096x256xi1>
    %jit3A_657 = arith.constant 3.100000e+01 : bf16
    %broadcast_in_dim3A_658 = vector.broadcast %jit3A_657 : bf16 to vector<4096x256xbf16>
    %select_n3A_659 = arith.select %and3A_656, %broadcast_in_dim3A_658, %select_n3A_639 : vector<4096x256xi1>, vector<4096x256xbf16>
    %convert_element_type3A_660 = arith.extf %select_n3A_659 : vector<4096x256xbf16> to vector<4096x256xf32>
    %iota3A = tpu.iota {dimensions = array<i32: 1>} : vector<4096x256xi32>
    %convert_element_type3A_661 = arith.sitofp %iota3A : vector<4096x256xi32> to vector<4096x256xf32>
    %lt3A = arith.constant 0.000000e+00 : f32
    %lt3A_662 = vector.broadcast %lt3A : f32 to vector<4096x256xf32>
    %lt3A_663 = arith.cmpf olt, %convert_element_type3A_660, %lt3A_662 : vector<4096x256xf32>
    %mul3A_664 = arith.constant 2.560000e+02 : f32
    %mul3A_665 = vector.broadcast %mul3A_664 : f32 to vector<4096x256xf32>
    %mul3A_666 = arith.mulf %convert_element_type3A_660, %mul3A_665 : vector<4096x256xf32>
    %add3A_667 = arith.addf %mul3A_666, %convert_element_type3A_661 : vector<4096x256xf32>
    %jit3A_668 = arith.constant -1.000000e+00 : f32
    %broadcast_in_dim3A_669 = vector.broadcast %jit3A_668 : f32 to vector<4096x256xf32>
    %select_n3A_670 = arith.select %lt3A_663, %broadcast_in_dim3A_669, %add3A_667 : vector<4096x256xi1>, vector<4096x256xf32>
    %reduce_max3A = arith.constant dense<0xFF800000> : vector<4096xf32>
    %reduce_max3A_671 = vector.multi_reduction <maximumf>, %select_n3A_670, %reduce_max3A [1] : vector<4096x256xf32> to vector<4096xf32>
    %convert_element_type3A_672 = arith.fptosi %reduce_max3A_671 : vector<4096xf32> to vector<4096xi32>
    %swap3A = arith.constant 0 : index
    %swap3A_673 = vector.load %arg3[%swap3A] : memref<4096xi32, #tpu.memory_space<vmem>>, vector<4096xi32>
    tpu.vector_store %arg3[%swap3A], %convert_element_type3A_672 {strides = array<i32>} : memref<4096xi32, #tpu.memory_space<vmem>>, vector<4096xi32>,
    return
  }
  func.func @transform_0(%arg0: i32) -> (i32, i32) {
    %c0_i32 = arith.constant 0 : i32
    %c0_i32_0 = arith.constant 0 : i32
    return %arg0, %c0_i32 : i32, i32
  }
  func.func @transform_1(%arg0: i32) -> (i32, i32) {
    %c0_i32 = arith.constant 0 : i32
    %c0_i32_0 = arith.constant 0 : i32
    %c0_i32_1 = arith.constant 0 : i32
    return %c0_i32, %c0_i32_0 : i32, i32
  }
  func.func @transform_2(%arg0: i32) -> i32 {
    %c0_i32 = arith.constant 0 : i32
    return %arg0 : i32
  }
}

</mosaic_0001>

<sc_bundles>
// kernel: kernel.4.cloned.1.call-start
scs
__scs_entry_jumppad:
0x0: {  	(pc) =	sbr.rel $0x88, $3  }
0x1: {  	(tag) =	ssettag $0x0;
	lr =	simm.s32 $0x1  }
0x2: {  	[smem:$0x3F9E] =	sst lr;
	_ =	strace $0xD0000000  }
0x3: {  	_ = 	snop  }
0x4: {  	_ = 	snop  }
0x5: {  	_ = 	snop  }
0x6: {  	_ = 	snop  }
0x7: {  	_ = 	snop  }
__scs_overlays_trampoline_lowered:
0x8: {  	[smem:$0x3FAD] =	sst s0  }
0x9: {  	[smem:$0x3FAE] =	sst s1  }
0xa: {  	[smem:$0x3FAF] =	sst s2  }
0xb: {  	[smem:$0x3FB0] =	sst s3  }
0xc: {  	[smem:$0x3FB1] =	sst s4  }
0xd: {  	[smem:$0x3FB2] =	sst s5  }
0xe: {  	[smem:$0x3FB3] =	sst s6  }
0xf: {  	[smem:$0x3FB4] =	sst s7  }
0x10: {  	[smem:$0x3FB5] =	sst s8  }
0x11: {  	[smem:$0x3FB6] =	sst s9;
	s0 =	simm.s32 @!p0 $0x0  }
0x12: {  	s1 =	sld [smem:$0x3F9C];
	s0 =	simm.s32 @p0 $0x1  }
0x13: {  	[smem:$0x3FB7] =	sst s0;
	s0 =	simm.s32 @!p1 $0x0  }
0x14: {  	s2 =	sld [smem:$0x3F9B];
	s0 =	simm.s32 @p1 $0x1  }
0x15: {  	[smem:$0x3FB8] =	sst s0;
	s0 =	simm.s32 @!p2 $0x0  }
0x16: {  	s3 =	sld [smem:$0x3FDB];
	s0 =	simm.s32 @p2 $0x1  }
0x17: {  	s4 =	simm.s32 $0x1BF5;
	[smem:$0x3FBA] =	sst s0  }
0x18: {  	s0 =	sld [smem:$0x3F9D];
	_ =	swait.ge [sflag:s4], $0x0  }
0x19: {  	s7 =	sld [smem:$0x3F9E]  }
0x1a: {  	s8 =	sadd.s32 $0xFFFFE003, lr  }
0x1b: {  	s9 =	sadd.s32 $0xFFFFFEF7, lr;
	s5 =	simm.s32 $0xFFFFFFFF;
	p2 =	slt.u32 s8, $0xFFFFF086  }
0x1c: {  	p1 =	slt.u32 s9, $0xF7A;
	s5 =	simm.s32 @!p2 $0x0  }
0x1d: {  	s5 =	simm.s32 @p1 $0x1;
	p0 =	seq.s32 s7, s2  }
0x1e: {  	s7 =	smul.u32 @!p0 $0xF7A, s2;
	p2 =	seq.s32 @!p0 s5, $0x0  }
0x1f: {  	s9 =	smul.u32 $0xF7A, s1;
	s8 =	simm.s32 @!p0 $0x1BF5;
	p2 =	por !p2, p0  }
0x20: {  	[sflag:s8] =	ssyncset.s32 @!p0 $0xFFFFF086;
	s6 =	sadd.s32 @!p0 s3, s7;
	s7 =	simm.s32 @!p0 $0x108  }
0x21: {  	s3 =	sadd.s32 s3, s9;
	s6 =	sadd.s32 @!p0 $0x88, s6;
	s7 =	simm.s32 @p2 $0x1082  }
0x22: {  	[simem:s7], [sflag:s8] =	dma.local @!p0 [hbm:s6], $0xF7A  }
0x23: {  	s9 =	sor.u32 $0xD0000000, s2;
	s6 =	simm.s32 $0x108;
	_ =	swait.ge @!p0 [sflag:s8], $0x0  }
0x24: {  	s3 =	sadd.s32 $0x88, s3;
	s6 =	simm.s32 @!p1 $0x1082;
	[sflag:s4] =	ssyncset.s32 $0xFFFFF086  }
0x25: {  	[simem:s6], [sflag:s4] =	dma.local [hbm:s3], $0xF7A  }
0x26: {  	[smem:$0x3F9E] =	sst s1;
	(tag) =	ssettag s2;
	_ =	strace s9  }
0x27: {  	s1 =	sld [smem:$0x3FAE]  }
0x28: {  	s2 =	sld [smem:$0x3FAF]  }
0x29: {  	s4 =	sld [smem:$0x3FB1]  }
0x2a: {  	p0 =	seq.s32 s5, $0x0;
	s5 =	sld [smem:$0x3FB2]  }
0x2b: {  	s6 =	sld [smem:$0x3FB3]  }
0x2c: {  	s7 =	sld [smem:$0x3FB4]  }
0x2d: {  	s3 =	simm.s32 $0x108;
	s8 =	sld [smem:$0x3FB5]  }
0x2e: {  	s3 =	simm.s32 @!p0 $0x1082;
	s9 =	sld [smem:$0x3FB6]  }
0x2f: {  	lr =	sadd.s32 s0, s3;
	s0 =	sld [smem:$0x3FAD]  }
0x30: {  	s3 =	sld [smem:$0x3FB0]  }
0x31: {  	[smem:$0x3FB9] =	sst s10  }
0x32: {  	s10 =	sld [smem:$0x3FB7];
	_ =	sdelay $0x3  }
0x33: {  	p0 =	seq.s32 s10, $0x1;
	s10 =	sld [smem:$0x3FB9];
	_ =	sdelay $0x3  }
0x34: {  	[smem:$0x3FB9] =	sst s10  }
0x35: {  	s10 =	sld [smem:$0x3FB8];
	_ =	sdelay $0x3  }
0x36: {  	p1 =	seq.s32 s10, $0x1;
	s10 =	sld [smem:$0x3FB9];
	_ =	sdelay $0x3  }
0x37: {  	[smem:$0x3FB9] =	sst s10  }
0x38: {  	s10 =	sld [smem:$0x3FBA]  }
0x39: {  	_ = 	snop;
	(pc) =	sbr.ind lr, $3  }
0x3a: {  	_ = 	snop  }
0x3b: {  	_ = 	snop  }
0x3c: {  	p2 =	seq.s32 s10, $0x1;
	s10 =	sld [smem:$0x3FB9]  }
0x3d: {  	_ =	shalt  }
0x3e: {  	_ =	shalt  }
0x3f: {  	_ =	shalt  }
0x40: {  	_ =	shalt  }
0x41: {  	_ =	shalt  }
0x42: {  	_ =	shalt  }
0x43: {  	_ =	shalt  }
0x44: {  	_ =	shalt  }
0x45: {  	_ =	shalt  }
0x46: {  	_ =	shalt  }
0x47: {  	_ =	shalt  }
0x48: {  	_ =	shalt  }
0x49: {  	_ =	shalt  }
0x4a: {  	_ =	shalt  }
0x4b: {  	_ =	shalt  }
0x4c: {  	_ =	shalt  }
0x4d: {  	_ =	shalt  }
0x4e: {  	_ =	shalt  }
0x4f: {  	_ =	shalt  }
0x50: {  	_ =	shalt  }
0x51: {  	_ =	shalt  }
0x52: {  	_ =	shalt  }
0x53: {  	_ =	shalt  }
0x54: {  	_ =	shalt  }
0x55: {  	_ =	shalt  }
0x56: {  	_ =	shalt  }
0x57: {  	_ =	shalt  }
0x58: {  	_ =	shalt  }
0x59: {  	_ =	shalt  }
0x5a: {  	_ =	shalt  }
0x5b: {  	_ =	shalt  }
0x5c: {  	_ =	shalt  }
0x5d: {  	_ =	shalt  }
0x5e: {  	_ =	shalt  }
0x5f: {  	_ =	shalt  }
0x60: {  	_ =	shalt  }
0x61: {  	_ =	shalt  }
0x62: {  	_ =	shalt  }
0x63: {  	_ =	shalt  }
0x64: {  	_ =	shalt  }
0x65: {  	_ =	shalt  }
0x66: {  	_ =	shalt  }
0x67: {  	_ =	shalt  }
0x68: {  	_ =	shalt  }
0x69: {  	_ =	shalt  }
0x6a: {  	_ =	shalt  }
0x6b: {  	_ =	shalt  }
0x6c: {  	_ =	shalt  }
0x6d: {  	_ =	shalt  }
0x6e: {  	_ =	shalt  }
0x6f: {  	_ =	shalt  }
0x70: {  	_ =	shalt  }
0x71: {  	_ =	shalt  }
0x72: {  	_ =	shalt  }
0x73: {  	_ =	shalt  }
0x74: {  	_ =	shalt  }
0x75: {  	_ =	shalt  }
0x76: {  	_ =	shalt  }
0x77: {  	_ =	shalt  }
0x78: {  	_ =	shalt  }
0x79: {  	_ =	shalt  }
0x7a: {  	_ =	shalt  }
0x7b: {  	_ =	shalt  }
0x7c: {  	_ =	shalt  }
0x7d: {  	_ =	shalt  }
0x7e: {  	_ =	shalt  }
0x7f: {  	_ =	shalt  }
0x80: {  	_ =	shalt  }
0x81: {  	_ =	shalt  }
0x82: {  	_ =	shalt  }
0x83: {  	_ =	shalt  }
0x84: {  	_ =	shalt  }
0x85: {  	_ =	shalt  }
0x86: {  	_ =	shalt  }
0x87: {  	_ =	shalt  }
.Lfunc_end0:
.L_simem_size_0:
called_computation_lowered:
.L_overlay_start_0:
0x88: {  	s2 =	sld [smem:$0x3FD9]  }
0x89: {  	s3 =	sld [smem:$0x3FFE];
	_ =	sdelay $0x1  }
0x8a: {  	s1 =	srdreg.scid  }
0x8b: {  	s0 =	sand.u32 $0x1, s1  }
0x8c: {  	s17 =	sshll.u32 s0, $0xA;
	s2 =	sadd.s32 s3, s2  }
0x8d: {  	s2 =	sadd.s32 s2, s17  }
0x8e: {  	[smem:$0x3FC5] =	sst s2  }
0x8f: {  	_ = 	snop  }
0x90: {  	s2 =	sld [smem:$0x3FC8]  }
0x91: {  	s18 =	sld [smem:$0x3FD0];
	(tm) =	ssettm $0x1  }
0x92: {  	s4 =	sld [smem:$0x3FFB];
	_ =	sdelay $0x3  }
0x93: {  	_ =	strace s4  }
0x94: {  	s4 =	sld [smem:$0x3FFC];
	_ =	sdelay $0x3  }
0x95: {  	_ =	strace s4  }
0x96: {  	s4 =	sld [smem:$0x3FFD];
	_ =	sdelay $0x3  }
0x97: {  	_ =	strace s4  }
0x98: {  	_ =	strace $0x8FFFFFFF  }
0x99: {  	s19 =	sld [smem:$0x3FDB];
	_ =	sdelay $0x1  }
0x9a: {  	s5 =	simm.s32 $_scs_section_size  }
0x9b: {  	s6 =	simm.s32 $_size__tile_overlayer_lowered;
	s7 =	simm.s32 $_tile_overlayer_lowered  }
0x9c: {  	s22 =	simm.s32 $0x1BFF;
	s21 =	sshll.u32 s7, $0x1;
	s4 =	sadd.s32 s5, s19  }
0x9d: {  	s8 =	simm.s32 $0x0;
	s20 =	sshll.u32 s6, $0x1;
	s6 =	sadd.s32 s21, s4  }
0x9e: {  	[timem:s8], [sflag:s22] =	dma.local [hbm:s6], s20  }
0x9f: {  	_ =	swait.ge [sflag:s22], s20  }
0xa0: {  	s5 =	ssub.s32 $0x0, s20;
	[sflag:s22] =	ssyncset.done $0x0  }
0xa1: {  	[sflag:s22] =	ssyncadd.s32 s5;
	_ =	sdelay $0x1  }
0xa2: {  	s23 =	simm.s32 $0x1B8B  }
0xa3: {  	_ =	swait.ge [sflag:s23], $0x1  }
0xa4: {  	[sflag:s23] =	ssyncset.done $0x0  }
0xa5: {  	s25 =	simm.s32 $0x1B8E;
	s24 =	sld [smem:$0x3FFE];
	[sflag:s23] =	ssyncadd.s32 $0xFFFFFFFF  }
0xa6: {  	s26 =	simm.s32 $execute0_lowered;
	[smem:$0x3FD2] =	sst s25  }
0xa7: {  	s6 =	sshll.u32 s26, $0x1;
	_ =	strace $0x80000046;
	[dreg:$0x1] =	wrdreg $0xFFFFFFFF  }
0xa8: {  	s28 =	simm.s32 $_size_execute0_lowered;
	s4 =	sadd.s32 s4, s6;
	[dreg:$0x0] =	wrdreg $0x0  }
0xa9: {  	s6 =	sshll.u32 s28, $0x1;
	[dreg:$0x2] =	wrdreg s4  }
0xaa: {  	[dreg:$0x3] =	wrdreg s6  }
0xab: {  	[dreg:$0x4] =	wrdreg $0xC0  }
0xac: {  	_ =	task [dreg:s8], $0x5FFFF  }
0xad: {  	[dreg:$0x1] =	wrdreg $0xFFFFFFFF  }
0xae: {  	[dreg:$0x0] =	wrdreg $0x60  }
0xaf: {  	[dreg:$0x2] =	wrdreg s24  }
0xb0: {  	[dreg:$0x3] =	wrdreg s2  }
0xb1: {  	[dreg:$0x4] =	wrdreg s18  }
0xb2: {  	[dreg:$0x5] =	wrdreg $0x4000  }
0xb3: {  	[dreg:$0x6] =	wrdreg $0x9  }
0xb4: {  	_ =	task.clear_ibuf [dreg:s8], $0x7FFFF;
	_ =	strace $0x90000046  }
0xb5: {  	s29 =	simm.s32 $0x9;
	_ =	strace $0x80000048  }
0xb6: {  	_ =	swait.ge [sflag:s29], $0x1  }
0xb7: {  	[sflag:s29] =	ssyncadd.s32 $0xFFFFFFFF  }
0xb8: {  	_ =	strace $0x90000048  }
0xb9: {  	_ =	sfence  }
0xba: {  	s30 =	sld [smem:$0x0];
	_ =	sdelay $0x2  }
0xbb: {  	s31 =	sshll.u32 s1, $0xD;
	s1 =	sshrl.u32 s1, $0x2  }
0xbc: {  	s3 =	sand.u32 $0x4000, s31;
	s1 =	sadd.s32 s1, s30  }
0xbd: {  	s0 =	sor.u32 s3, s0;
	s1 =	sshll.u32 s1, $0x11  }
0xbe: {  	s0 =	sor.u32 s1, s0  }
0xbf: {  	s0 =	sadd.s32 $0x8F2B, s0  }
0xc0: {  	[sflag:s0] =	ssyncadd.remote.s32 $0x1  }
0xc1: {  	_ =	sfence.sel $0xFFFF  }
0xc2: {  	[dreg:$0x0] =	wrdreg $0xFFFFFFFF;
	(pc) =	sbr.abs _section_cstart, $3  }
0xc3: {  	[dreg:$0x1] =	wrdreg $0xFFFFFFFF  }
0xc4: {  	_ =	task.clear_ibuf [dreg:s8], $0x2FFFF;
	_ =	strace $0x9FFFFFFF  }
0xc5: {  	(tm) =	ssettm $0x7FFFFFFF  }
tec
execute0_lowered:
.L_overlay_start_1:
0x0: {  	(tag) =	ssettag $0x1  }
0x1: {  	s0 =	rddreg [dreg:$0x0]  }
0x2: {  	s1 =	rddreg [dreg:$0x1]  }
0x3: {  	s2 =	rddreg [dreg:$0x2]  }
0x4: {  	s9 =	rddreg [dreg:$0x3]  }
0x5: {  	s4 =	simm.s32 $0x0;
	s3 =	srdreg.scid;
	s5 =	stileid.u32  }
0x6: {  	s12 =	simm.s32 $0x3;
	s14 =	simm.s32 $0x420;
	s15 =	simm.s32 $0xC20  }
0x7: {  	s16 =	simm.s32 $0x1420;
	s17 =	simm.s32 $0x1C20;
	s18 =	simm.s32 $0x2420  }
0x8: {  	s19 =	simm.s32 $0x2C20;
	s20 =	simm.s32 $0x3420;
	s21 =	simm.s32 $0x3C20  }
0x9: {  	s22 =	simm.s32 $0x4420;
	s23 =	simm.s32 $0x4C20;
	s24 =	simm.s32 $0x5420  }
0xa: {  	s25 =	simm.s32 $0x5C20;
	s28 =	simm.s32 $0x6C20;
	s29 =	simm.s32 $0x7420  }
0xb: {  	s30 =	simm.s32 $0x7C20;
	s31 =	simm.s32 $0x1;
	[smem:$0x7FF] =	sst s4  }
0xc: {  	s3 =	sand.u32 $0x1, s3;
	s7 =	sshll.u32 s5, $0x5;
	s5 =	sshll.u32 s5, $0x1  }
0xd: {  	_ =	strace $0x80000047;
	s6 =	ssub.s32 $0x2, s3;
	s0 =	sadd.s32 s7, s0  }
.Ltmp0:
0xe: {  	s5 =	sor.u32 s3, s5;
	s7 =	sadd.s32 s7, s9;
	(pc) =	sbr.rel .LBB2_1-.Ltmp0, $4  }
0xf: {  	s8 =	sshrl.u32 s6, $0x1;
	s26 =	sshll.u32 s5, $0xC;
	p0 =	seq.s32 s5, $0x0  }
0x10: {  	v3 =	vlaneseq.u32;
	s11 =	ssub.s32 s6, s8;
	s6 =	sadd.s32 $0x800, s0;
	s8 =	sshll.u32 s3, $0x7  }
0x11: {  	vm0 =	vmmov $0xffff;
	v0 =	vimm.s32 $0x0;
	v2 =	vshrl.u32 v3, $0x3;
	s9 =	sadd.s32 s2, s26;
	s26 =	simm.s32 $0x6420;
	s0 =	simm.s32 $0x2  }
0x12: {  	v1 =	vand.u32 $0x7, v3;
	v3 =	vor.u32 $0x8, v3;
	v2 =	vmul.u32 $0x8, v2;
	s3 =	simm.s32 $0x0;
	s10 =	sadd.s32 $0x800, s9;
	s11 =	smax.u32 s11, $0x1  }
.LBB2_4:
0x13: {  	v4 =	vadd.s32 v4, v5  }
.LBB2_5:
0x14: {  	v5 =	vld [tilespmem:s8+$0x0];
	_ =	sdelay $0x4  }
0x15: {  	vm1 =	veq.s32 v5, $0xFFFFFFFF  }
0x16: {  	(xrf0) =	vadd.scan.msk.s32 $0xffff, v4;
	v4 =	vsel vm1, $0x1, v0  }
0x17: {  	(xrf0) =	vadd.scan.msk.s32 $0xffff, v4;
	_ =	sdelay $0x4  }
0x18: {  	v4, _, _ =	vpop (xrf0)  }
0x19: {  	(v2sf) =	vpush v4, $0xF;
	v6, _, _ =	vpop (xrf0)  }
0x1a: {  	(v2sf) =	vpush v6, $0xF  }
0x1b: {  	v4 =	vadd.s32 $0xFFFFFFFF, v4  }
0x1c: {  	v4 =	vbroadcast v4, $0xF;
	_ =	sdelay $0x1  }
0x1d: {  	v4 =	vadd.s32 v6, v4  }
0x1e: {  	v4 =	vsel vm1, v4, v5  }
0x1f: {  	[tilespmem:$0x100] =	vst v4  }
0x20: {  	v5 =	vld [tilespmem:s8+$0x10];
	_ =	sdelay $0x4  }
0x21: {  	vm1 =	veq.s32 v5, $0xFFFFFFFF  }
0x22: {  	v46 =	vsel vm1, $0x1, v0  }
0x23: {  	(xrf0) =	vadd.scan.msk.s32 $0xffff, v46;
	s2 =	spop (v2sf)  }
0x24: {  	s13 =	spop (v2sf)  }
0x25: {  	s2 =	sadd.s32 s2, s13  }
0x26: {  	v47 =	vmov s2  }
0x27: {  	v6 =	vadd.s32 $0xFFFFFFFF, v47  }
0x28: {  	v6 =	vbroadcast v6, $0x0  }
0x29: {  	v7, _, _ =	vpop (xrf0)  }
0x2a: {  	(v2sf) =	vpush v7, $0xF;
	v6 =	vadd.s32 v7, v6  }
0x2b: {  	v5 =	vsel vm1, v6, v5  }
0x2c: {  	[tilespmem:$0x110] =	vst v5  }
0x2d: {  	v5 =	vld [tilespmem:s8+$0x20];
	_ =	sdelay $0x4  }
0x2e: {  	vm1 =	veq.s32 v5, $0xFFFFFFFF  }
0x2f: {  	v48 =	vsel vm1, $0x1, v0  }
0x30: {  	(xrf0) =	vadd.scan.msk.s32 $0xffff, v48;
	_ =	sdelay $0x4  }
0x31: {  	s13 =	spop (v2sf)  }
0x32: {  	s2 =	sadd.s32 s2, s13;
	v6, _, _ =	vpop (xrf0)  }
0x33: {  	v49 =	vmov s2;
	(v2sf) =	vpush v6, $0xF  }
0x34: {  	v7 =	vadd.s32 $0xFFFFFFFF, v49  }
0x35: {  	v7 =	vbroadcast v7, $0x0;
	_ =	sdelay $0x1  }
0x36: {  	v6 =	vadd.s32 v6, v7  }
0x37: {  	v5 =	vsel vm1, v6, v5  }
0x38: {  	[tilespmem:$0x120] =	vst v5  }
0x39: {  	v5 =	vld [tilespmem:s8+$0x30];
	_ =	sdelay $0x4  }
0x3a: {  	vm1 =	veq.s32 v5, $0xFFFFFFFF  }
0x3b: {  	v50 =	vsel vm1, $0x1, v0  }
0x3c: {  	(xrf0) =	vadd.scan.msk.s32 $0xffff, v50  }
0x3d: {  	s13 =	spop (v2sf)  }
0x3e: {  	s2 =	sadd.s32 s2, s13  }
0x3f: {  	v51 =	vmov s2  }
0x40: {  	v6 =	vadd.s32 $0xFFFFFFFF, v51  }
0x41: {  	v6 =	vbroadcast v6, $0x0  }
0x42: {  	v52, _, _ =	vpop (xrf0)  }
0x43: {  	(v2sf) =	vpush v52, $0xF;
	v6 =	vadd.s32 v52, v6  }
0x44: {  	v5 =	vsel vm1, v6, v5  }
0x45: {  	[tilespmem:$0x130] =	vst v5  }
0x46: {  	v5 =	vld [tilespmem:s8+$0x40];
	_ =	sdelay $0x4  }
0x47: {  	vm1 =	veq.s32 v5, $0xFFFFFFFF  }
0x48: {  	v53 =	vsel vm1, $0x1, v0  }
0x49: {  	(xrf0) =	vadd.scan.msk.s32 $0xffff, v53;
	_ =	sdelay $0x4  }
0x4a: {  	s13 =	spop (v2sf)  }
0x4b: {  	s2 =	sadd.s32 s2, s13;
	v6, _, _ =	vpop (xrf0)  }
0x4c: {  	v54 =	vmov s2;
	(v2sf) =	vpush v6, $0xF  }
0x4d: {  	v7 =	vadd.s32 $0xFFFFFFFF, v54  }
0x4e: {  	v7 =	vbroadcast v7, $0x0;
	_ =	sdelay $0x1  }
0x4f: {  	v6 =	vadd.s32 v6, v7  }
0x50: {  	v5 =	vsel vm1, v6, v5  }
0x51: {  	[tilespmem:$0x140] =	vst v5  }
0x52: {  	v5 =	vld [tilespmem:s8+$0x50];
	_ =	sdelay $0x4  }
0x53: {  	vm1 =	veq.s32 v5, $0xFFFFFFFF  }
0x54: {  	v55 =	vsel vm1, $0x1, v0  }
0x55: {  	(xrf0) =	vadd.scan.msk.s32 $0xffff, v55  }
0x56: {  	s13 =	spop (v2sf)  }
0x57: {  	s2 =	sadd.s32 s2, s13  }
0x58: {  	v56 =	vmov s2  }
0x59: {  	v6 =	vadd.s32 $0xFFFFFFFF, v56  }
0x5a: {  	v6 =	vbroadcast v6, $0x0  }
0x5b: {  	v57, _, _ =	vpop (xrf0)  }
0x5c: {  	(v2sf) =	vpush v57, $0xF;
	v6 =	vadd.s32 v57, v6  }
0x5d: {  	v5 =	vsel vm1, v6, v5  }
0x5e: {  	[tilespmem:$0x150] =	vst v5  }
0x5f: {  	v5 =	vld [tilespmem:s8+$0x60];
	_ =	sdelay $0x4  }
0x60: {  	vm1 =	veq.s32 v5, $0xFFFFFFFF  }
0x61: {  	v58 =	vsel vm1, $0x1, v0  }
0x62: {  	(xrf0) =	vadd.scan.msk.s32 $0xffff, v58;
	_ =	sdelay $0x4  }
0x63: {  	s13 =	spop (v2sf)  }
0x64: {  	s2 =	sadd.s32 s2, s13;
	v6, _, _ =	vpop (xrf0)  }
0x65: {  	v59 =	vmov s2;
	(v2sf) =	vpush v6, $0xF  }
0x66: {  	v7 =	vadd.s32 $0xFFFFFFFF, v59  }
0x67: {  	v7 =	vbroadcast v7, $0x0;
	_ =	sdelay $0x1  }
0x68: {  	v6 =	vadd.s32 v6, v7  }
0x69: {  	v5 =	vsel vm1, v6, v5  }
0x6a: {  	[tilespmem:$0x160] =	vst v5  }
0x6b: {  	v5 =	vld [tilespmem:s8+$0x70];
	_ =	sdelay $0x4  }
0x6c: {  	vm1 =	veq.s32 v5, $0xFFFFFFFF  }
0x6d: {  	v60 =	vsel vm1, $0x1, v0  }
0x6e: {  	v61 =	vshll.u32 v4, $0x1;
	(xrf0) =	vadd.scan.msk.s32 $0xffff, v60  }
0x6f: {  	v4 =	vand.u32 $0x7, v4;
	v6 =	vand.u32 $0xFFFFFFF0, v61;
	s13 =	spop (v2sf)  }
0x70: {  	v4 =	vor.u32 v4, v6;
	s2 =	sadd.s32 s2, s13  }
0x71: {  	v63 =	vperm.xlane v4, v1;
	v62 =	vmov s2  }
0x72: {  	v6 =	vadd.s32 $0xFFFFFFFF, v62  }
0x73: {  	v4 =	vperm.xlane v4, v3;
	v7 =	vadd.s32 v2, v63;
	v6 =	vbroadcast v6, $0x0  }
0x74: {  	v8, _, _ =	vpop (xrf0)  }
0x75: {  	v4 =	vadd.s32 v2, v4;
	v6 =	vadd.s32 v8, v6  }
0x76: {  	v5 =	vsel vm1, v6, v5  }
0x77: {  	[tilespmem:$0x170] =	vst v5  }
0x78: {  	[tilespmem:s14], [sflag:$0x1] =	stream.indirect_vreg.gather [hbm4b:s1+s4], $0x80, v7, vm0, $0xb8;
	[tilespmem:$0x8420] =	vst v63  }
0x79: {  	_ = 	snop  }
0x7a: {  	[tilespmem:s15], [sflag:$0x1] =	stream.indirect_vreg.gather [hbm4b:s1+s4], $0x80, v4, vm0, $0xb8;
	[tilespmem:$0x8420] =	vst v63  }
0x7b: {  	v4 =	vld [tilespmem:$0x110];
	_ =	sdelay $0x4  }
0x7c: {  	v5 =	vshll.u32 v4, $0x1  }
0x7d: {  	v4 =	vand.u32 $0x7, v4;
	v5 =	vand.u32 $0xFFFFFFF0, v5  }
0x7e: {  	v4 =	vor.u32 v4, v5  }
0x7f: {  	v5 =	vperm.xlane v4, v1;
	_ =	sdelay $0x1  }
0x80: {  	v4 =	vperm.xlane v4, v3;
	v5 =	vadd.s32 v2, v5;
	_ =	sdelay $0x1  }
0x81: {  	v4 =	vadd.s32 v2, v4;
	_ =	sdelay $0x2  }
0x82: {  	[tilespmem:s16], [sflag:$0x1] =	stream.indirect_vreg.gather [hbm4b:s1+s4], $0x80, v5, vm0, $0xb8;
	[tilespmem:$0x8420] =	vst v63  }
0x83: {  	_ = 	snop  }
0x84: {  	[tilespmem:s17], [sflag:$0x1] =	stream.indirect_vreg.gather [hbm4b:s1+s4], $0x80, v4, vm0, $0xb8;
	[tilespmem:$0x8420] =	vst v63  }
0x85: {  	v4 =	vld [tilespmem:$0x120];
	_ =	sdelay $0x4  }
0x86: {  	v5 =	vshll.u32 v4, $0x1  }
0x87: {  	v4 =	vand.u32 $0x7, v4;
	v5 =	vand.u32 $0xFFFFFFF0, v5  }
0x88: {  	v4 =	vor.u32 v4, v5  }
0x89: {  	v5 =	vperm.xlane v4, v1;
	_ =	sdelay $0x1  }
0x8a: {  	v4 =	vperm.xlane v4, v3;
	v5 =	vadd.s32 v2, v5;
	_ =	sdelay $0x1  }
0x8b: {  	v4 =	vadd.s32 v2, v4;
	_ =	sdelay $0x2  }
0x8c: {  	[tilespmem:s18], [sflag:$0x1] =	stream.indirect_vreg.gather [hbm4b:s1+s4], $0x80, v5, vm0, $0xb8;
	[tilespmem:$0x8420] =	vst v63  }
0x8d: {  	_ = 	snop  }
0x8e: {  	[tilespmem:s19], [sflag:$0x1] =	stream.indirect_vreg.gather [hbm4b:s1+s4], $0x80, v4, vm0, $0xb8;
	[tilespmem:$0x8420] =	vst v63  }
0x8f: {  	v4 =	vld [tilespmem:$0x130];
	_ =	sdelay $0x4  }
0x90: {  	v5 =	vshll.u32 v4, $0x1  }
0x91: {  	v4 =	vand.u32 $0x7, v4;
	v5 =	vand.u32 $0xFFFFFFF0, v5  }
0x92: {  	v4 =	vor.u32 v4, v5  }
0x93: {  	v5 =	vperm.xlane v4, v1;
	_ =	sdelay $0x1  }
0x94: {  	v4 =	vperm.xlane v4, v3;
	v5 =	vadd.s32 v2, v5;
	_ =	sdelay $0x1  }
0x95: {  	v4 =	vadd.s32 v2, v4;
	_ =	sdelay $0x2  }
0x96: {  	[tilespmem:s20], [sflag:$0x1] =	stream.indirect_vreg.gather [hbm4b:s1+s4], $0x80, v5, vm0, $0xb8;
	[tilespmem:$0x8420] =	vst v63  }
0x97: {  	_ = 	snop  }
0x98: {  	[tilespmem:s21], [sflag:$0x1] =	stream.indirect_vreg.gather [hbm4b:s1+s4], $0x80, v4, vm0, $0xb8;
	[tilespmem:$0x8420] =	vst v63  }
0x99: {  	v4 =	vld [tilespmem:$0x140];
	_ =	sdelay $0x4  }
0x9a: {  	v5 =	vshll.u32 v4, $0x1  }
0x9b: {  	v4 =	vand.u32 $0x7, v4;
	v5 =	vand.u32 $0xFFFFFFF0, v5  }
0x9c: {  	v4 =	vor.u32 v4, v5  }
0x9d: {  	v5 =	vperm.xlane v4, v1;
	_ =	sdelay $0x1  }
0x9e: {  	v4 =	vperm.xlane v4, v3;
	v5 =	vadd.s32 v2, v5;
	_ =	sdelay $0x1  }
0x9f: {  	v4 =	vadd.s32 v2, v4;
	_ =	sdelay $0x2  }
0xa0: {  	[tilespmem:s22], [sflag:$0x2] =	stream.indirect_vreg.gather [hbm4b:s1+s4], $0x80, v5, vm0, $0xb8;
	[tilespmem:$0x8420] =	vst v63  }
0xa1: {  	_ = 	snop  }
0xa2: {  	[tilespmem:s23], [sflag:$0x2] =	stream.indirect_vreg.gather [hbm4b:s1+s4], $0x80, v4, vm0, $0xb8;
	[tilespmem:$0x8420] =	vst v63  }
0xa3: {  	v4 =	vld [tilespmem:$0x150];
	_ =	sdelay $0x4  }
0xa4: {  	v5 =	vshll.u32 v4, $0x1  }
0xa5: {  	v4 =	vand.u32 $0x7, v4;
	v5 =	vand.u32 $0xFFFFFFF0, v5  }
0xa6: {  	v4 =	vor.u32 v4, v5  }
0xa7: {  	v5 =	vperm.xlane v4, v1;
	_ =	sdelay $0x1  }
0xa8: {  	v4 =	vperm.xlane v4, v3;
	v5 =	vadd.s32 v2, v5;
	_ =	sdelay $0x1  }
0xa9: {  	v4 =	vadd.s32 v2, v4;
	_ =	sdelay $0x2  }
0xaa: {  	[tilespmem:s24], [sflag:$0x2] =	stream.indirect_vreg.gather [hbm4b:s1+s4], $0x80, v5, vm0, $0xb8;
	[tilespmem:$0x8420] =	vst v63  }
0xab: {  	_ = 	snop  }
0xac: {  	[tilespmem:s25], [sflag:$0x2] =	stream.indirect_vreg.gather [hbm4b:s1+s4], $0x80, v4, vm0, $0xb8;
	[tilespmem:$0x8420] =	vst v63  }
0xad: {  	v4 =	vld [tilespmem:$0x160];
	_ =	sdelay $0x4  }
0xae: {  	v5 =	vshll.u32 v4, $0x1  }
0xaf: {  	v4 =	vand.u32 $0x7, v4;
	v5 =	vand.u32 $0xFFFFFFF0, v5  }
0xb0: {  	v4 =	vor.u32 v4, v5  }
0xb1: {  	v5 =	vperm.xlane v4, v1;
	_ =	sdelay $0x1  }
0xb2: {  	v4 =	vperm.xlane v4, v3;
	v5 =	vadd.s32 v2, v5;
	_ =	sdelay $0x1  }
0xb3: {  	v4 =	vadd.s32 v2, v4;
	_ =	sdelay $0x2  }
0xb4: {  	[tilespmem:s26], [sflag:$0x2] =	stream.indirect_vreg.gather [hbm4b:s1+s4], $0x80, v5, vm0, $0xb8;
	[tilespmem:$0x8420] =	vst v63  }
0xb5: {  	_ = 	snop  }
0xb6: {  	[tilespmem:s28], [sflag:$0x2] =	stream.indirect_vreg.gather [hbm4b:s1+s4], $0x80, v4, vm0, $0xb8;
	[tilespmem:$0x8420] =	vst v63  }
0xb7: {  	v4 =	vld [tilespmem:$0x170];
	_ =	sdelay $0x4  }
0xb8: {  	v5 =	vshll.u32 v4, $0x1  }
0xb9: {  	v4 =	vand.u32 $0x7, v4;
	v5 =	vand.u32 $0xFFFFFFF0, v5  }
0xba: {  	v4 =	vor.u32 v4, v5  }
0xbb: {  	v5 =	vperm.xlane v4, v1;
	_ =	sdelay $0x1  }
0xbc: {  	v4 =	vperm.xlane v4, v3;
	v5 =	vadd.s32 v2, v5;
	_ =	sdelay $0x1  }
0xbd: {  	v4 =	vadd.s32 v2, v4;
	_ =	sdelay $0x2  }
0xbe: {  	[tilespmem:s29], [sflag:$0x2] =	stream.indirect_vreg.gather [hbm4b:s1+s4], $0x80, v5, vm0, $0xb8;
	[tilespmem:$0x8420] =	vst v63  }
0xbf: {  	_ = 	snop  }
0xc0: {  	[tilespmem:s30], [sflag:$0x2] =	stream.indirect_vreg.gather [hbm4b:s1+s4], $0x80, v4, vm0, $0xb8;
	[tilespmem:$0x8420] =	vst v63  }
0xc1: {  	_ =	swait.ge [sflag:s31], $0x4000  }
0xc2: {  	[sflag:s31] =	ssyncset.done $0x0  }
0xc3: {  	[sflag:s31] =	ssyncadd.s32 $0xFFFFC000  }
0xc4: {  	[hbm4b:s9+s4] =	stream.linear.scatter [tilespmem:s14], [sflag:$0x3], $0x4000, $0x38;
	[tilespmem:$0x8420] =	vst v63  }
0xc5: {  	_ =	swait.ge [sflag:s12], $0x4000  }
0xc6: {  	[sflag:s12] =	ssyncset.done $0x0  }
0xc7: {  	[sflag:s12] =	ssyncadd.s32 $0xFFFFC000  }
0xc8: {  	s3 =	sadd.s32 $0x1, s3;
	_ =	swait.ge [sflag:s0], $0x4000  }
0xc9: {  	p1 =	sne.s32 s3, s11;
	[sflag:s0] =	ssyncset.done $0x0  }
.Ltmp1:
0xca: {  	[sflag:s0] =	ssyncadd.s32 $0xFFFFC000;
	(pc) =	sbr.rel @!p1 .LBB2_6-.Ltmp1, $4  }
0xcb: {  	[hbm4b:s10+s4] =	stream.linear.scatter [tilespmem:s22], [sflag:$0x3], $0x4000, $0x38;
	[tilespmem:$0x8420] =	vst v63  }
0xcc: {  	_ =	swait.ge [sflag:s12], $0x4000  }
0xcd: {  	[sflag:s12] =	ssyncset.done $0x0  }
0xce: {  	[sflag:s12] =	ssyncadd.s32 $0xFFFFC000  }
.LBB2_1:
0xcf: {  	[tilespmem:s4], [sflag:$0x3] =	stream.linear.gather [hbm4b:s6+s4], $0x100, $0x38;
	[tilespmem:$0x8420] =	vst v63  }
0xd0: {  	_ =	swait.ge [sflag:s12], $0x100  }
0xd1: {  	[sflag:s12] =	ssyncset.done $0x0  }
0xd2: {  	[sflag:s12] =	ssyncadd.s32 $0xFFFFFF00  }
0xd3: {  	v4 =	vld [tilespmem:$0x0]  }
0xd4: {  	v5 =	vld [tilespmem:$0x10]  }
0xd5: {  	v6 =	vld [tilespmem:$0x20]  }
0xd6: {  	v7 =	vld [tilespmem:$0x30]  }
0xd7: {  	v8 =	vld [tilespmem:$0x40]  }
0xd8: {  	v9 =	vld [tilespmem:$0x50]  }
0xd9: {  	v12 =	vld [tilespmem:$0x60]  }
0xda: {  	v51 =	vld [tilespmem:$0x80]  }
0xdb: {  	v52 =	vld [tilespmem:$0xA0];
	v10 =	vshra.s32 v4, $0x1F;
	v11 =	vshra.s32 v5, $0x1F  }
0xdc: {  	v53 =	vld [tilespmem:$0xB0];
	v49 =	vshra.s32 v6, $0x1F;
	v4 =	vand.u32 v10, v4;
	v5 =	vand.u32 v11, v5  }
0xdd: {  	v54 =	vld [tilespmem:$0xD0];
	v4 =	vadd.s32 v5, v4;
	v5 =	vand.u32 v49, v6;
	v6 =	vshra.s32 v7, $0x1F  }
0xde: {  	v4 =	vadd.s32 v5, v4;
	v5 =	vand.u32 v6, v7;
	v6 =	vshra.s32 v8, $0x1F;
	v7 =	vld [tilespmem:$0x90]  }
0xdf: {  	v14 =	vld [tilespmem:$0xE0];
	v4 =	vadd.s32 v5, v4;
	v5 =	vand.u32 v6, v8;
	v6 =	vshra.s32 v9, $0x1F  }
0xe0: {  	v57 =	vld [tilespmem:$0xF0];
	v4 =	vadd.s32 v5, v4;
	v5 =	vand.u32 v6, v9;
	v6 =	vshra.s32 v12, $0x1F  }
0xe1: {  	v4 =	vadd.s32 v5, v4;
	v5 =	vand.u32 v6, v12;
	v6 =	vld [tilespmem:$0xC0]  }
0xe2: {  	v55 =	vshra.s32 v51, $0x1F;
	v56 =	vshra.s32 v52, $0x1F  }
0xe3: {  	v50 =	vld [tilespmem:$0x70];
	v58 =	vshra.s32 v53, $0x1F;
	v61 =	vshra.s32 v54, $0x1F;
	v13 =	vshra.s32 v7, $0x1F  }
0xe4: {  	v62 =	vshra.s32 v14, $0x1F;
	v10 =	vand.u32 v55, v51;
	v7 =	vand.u32 v13, v7  }
0xe5: {  	v63 =	vshra.s32 v57, $0x1F;
	v8 =	vand.u32 v56, v52;
	v7 =	vadd.s32 v7, v10  }
0xe6: {  	v59 =	vand.u32 v58, v53;
	v7 =	vadd.s32 v8, v7;
	v60 =	vshra.s32 v6, $0x1F  }
0xe7: {  	v4 =	vadd.s32 v5, v4;
	v7 =	vadd.s32 v59, v7;
	v6 =	vand.u32 v60, v6  }
0xe8: {  	v5 =	vshra.s32 v50, $0x1F;
	v6 =	vadd.s32 v6, v7;
	v7 =	vand.u32 v61, v54  }
0xe9: {  	v5 =	vand.u32 v5, v50;
	v6 =	vadd.s32 v7, v6;
	v7 =	vand.u32 v62, v14  }
0xea: {  	v4 =	vadd.s32 v5, v4;
	v5 =	vadd.s32 v7, v6;
	v6 =	vand.u32 v63, v57  }
0xeb: {  	v4 =	vsub.s32 $0x0, v4;
	v5 =	vadd.s32 v6, v5  }
0xec: {  	[tilespmem:$0x180] =	vst v4;
	v4 =	vsub.s32 $0x0, v5  }
0xed: {  	s2 =	simm.s32 $0x180;
	[tilespmem:$0x190] =	vst v4  }
0xee: {  	[spmem:s7] =	stream.linear.scatter [tilespmem:s2], [sflag:$0x3], $0x20, $0x38;
	[tilespmem:$0x8420] =	vst v63  }
0xef: {  	_ =	swait.ge [sflag:s12], $0x20  }
0xf0: {  	[sflag:s12] =	ssyncset.done $0x0  }
0xf1: {  	[sflag:s12] =	ssyncadd.s32 $0xFFFFFFE0  }
0xf2: {  	[bflag:$0x0] =	sbarrier.arrive $0xFFFF  }
.Ltmp2:
0xf3: {  	s2 =	simm.s32 $0x200;
	s13 =	rddreg [dreg:$0x3];
	(pc) =	sbr.rel @p0 .LBB2_5-.Ltmp2, $4  }
0xf4: {  	[tilespmem:s2], [sflag:$0x3] =	stream.linear.gather [spmem:s13], $0x200, $0x38;
	[tilespmem:$0x8420] =	vst v63  }
0xf5: {  	_ =	swait.ge [sflag:s12], $0x200  }
0xf6: {  	[sflag:s12] =	ssyncset.done $0x0  }
0xf7: {  	v4 =	vimm.s32 $0x0;
	[sflag:s12] =	ssyncadd.s32 $0xFFFFFE00  }
0xf8: {  	p1 =	sne.s32 s5, $0x1  }
.Ltmp3:
0xf9: {  	v5 =	vld [tilespmem:s2+$0x0];
	(pc) =	sbr.rel @!p1 .LBB2_4-.Ltmp3, $2  }
0xfa: {  	_ =	sdelay $0x2  }
0xfb: {  	s13 =	sadd.s32 $0xFFFFFFFF, s5;
	v4 =	vimm.s32 $0x0  }
.LBB2_3:
0xfc: {  	p1 =	sne.s32 s13, $0x1  }
.Ltmp4:
0xfd: {  	_ = 	snop;
	(pc) =	sbr.rel @p1 .LBB2_3-.Ltmp4, $3  }
0xfe: {  	_ =	sdelay $0x1  }
0xff: {  	s13 =	sadd.s32 $0xFFFFFFFF, s13;
	v4 =	vadd.s32 v4, v5;
	s2 =	sadd.s32 $0x10, s2  }
0x100: {  	v5 =	vld [tilespmem:s2+$0x0]  }
.Ltmp5:
0x101: {  	_ = 	snop;
	(pc) =	sbr.rel .LBB2_4-.Ltmp5, $1  }
0x102: {  	_ =	sdelay $0x3  }
.LBB2_6:
0x103: {  	_ =	sfence.sel $0x180000  }
0x104: {  	[bflag:$0x0] =	sbarrier.arrive $0xFFFF  }
0x105: {  	_ =	strace $0x90000047  }
0x106: {  	s0 =	stileid.u32;
	[bflag:$0x2] =	sbarrier.arrive $0xFFFF  }
0x107: {  	p0 =	sne.s32 s0, $0x0;
	s0 =	rddreg [dreg:$0x4]  }
0x108: {  	s0 =	sadd.s32 @!p0 $0x100000, s0  }
0x109: {  	[sflag:s0] =	ssyncadd.tile.s32 @!p0 $0x1;
	_ =	shalt  }
.Lfunc_end2:
_tile_overlayer_lowered:
.L_overlay_start_2:
0x10a: {  	(tag) =	ssettag $0x2  }
0x10b: {  	s0 =	rddreg [dreg:$0x0];
	s2 =	stileid.u32  }
0x10c: {  	s1 =	rddreg [dreg:$0x1];
	p0 =	sne.s32 s2, $0x0  }
0x10d: {  	s3 =	rddreg [dreg:$0x2];
	[bflag:$0x3] =	sbarrier.arrive $0xFFFF;
	s2 =	simm.s32 @!p0 $0x1C03  }
0x10e: {  	[timem:s3], [sflag:s2] =	dma.local @!p0 [hbm:s0], s1  }
0x10f: {  	s0 =	simm.s32 @!p0 $0x3  }
0x110: {  	_ =	swait.ge @!p0 [sflag:s0], s1  }
0x111: {  	s1 =	ssub.s32 @!p0 $0x0, s1;
	[sflag:s0] =	ssyncset.done @!p0 $0x0  }
0x112: {  	[sflag:s0] =	ssyncadd.s32 @!p0 s1  }
0x113: {  	[bflag:$0x3] =	sbarrier.arrive $0xFFFF  }
0x114: {  	_ =	shalt  }

</sc_bundles>
